<compile_context>
chip_gen: v7x
topology: tpu7x:2x2x1
jax: 0.10.2.dev20260603
libtpu: 0.0.44.dev20260713+nightly
codegen_flags: <defaults>
</compile_context>

<pallas_src>
import functools

import jax
import jax.numpy as jnp
from jax.experimental import pallas as pl
from jax.experimental.pallas import tpu as pltpu
from jax.experimental.pallas import tpu_sc as plsc

_T, _D, _G, _H, _E = 2048, 768, 256, 1536, 8
_B = 256
_NBLK = (2 * _T) // _B + _E
_NROWS = _NBLK * _B


def _route_kernel(x_ref, gw1_ref, gb1_ref, gw2_ref, gb2_ref,
                  logits_ref, posT_ref, bexp_ref, nact_ref, cnt_ref):
    x = x_ref[...]
    gh = jnp.maximum(
        jnp.dot(x, gw1_ref[...], preferred_element_type=jnp.float32)
        + gb1_ref[...], 0.0)
    logits = (jnp.dot(gh, gw2_ref[...], preferred_element_type=jnp.float32)
              + gb2_ref[...])
    logits_ref[...] = logits
    lt = logits.T
    sub = jax.lax.broadcasted_iota(jnp.int32, (_E, _T), 0)
    m1 = jnp.max(lt, axis=0, keepdims=True)
    i1 = jnp.min(jnp.where(lt == m1, sub, _E), axis=0, keepdims=True)
    pm = jnp.where(sub == i1, -jnp.inf, lt)
    m2 = jnp.max(pm, axis=0, keepdims=True)
    i2 = jnp.min(jnp.where(pm == m2, sub, _E), axis=0, keepdims=True)

    c = (jnp.where(sub == i1, 1.0, 0.0)
         + jnp.where(sub == i2, 1.0, 0.0))
    cnt = jnp.sum(c, axis=1, keepdims=True)
    cnt_ref[...] = cnt

    _CH = 128
    _NC = _T // _CH
    r_i = jax.lax.broadcasted_iota(jnp.int32, (_CH, _CH), 0)
    c_i = jax.lax.broadcasted_iota(jnp.int32, (_CH, _CH), 1)
    ustri = jnp.where(r_i < c_i, 1.0, 0.0)
    parts = []
    sums = []
    for k in range(_NC):
        ck = c[:, k * _CH:(k + 1) * _CH]
        parts.append(jnp.dot(ck, ustri, preferred_element_type=jnp.float32))
        sums.append(jnp.sum(ck, axis=1, keepdims=True))
    s = jnp.concatenate(sums, axis=1)
    kr_i = jax.lax.broadcasted_iota(jnp.int32, (_NC, _NC), 0)
    kc_i = jax.lax.broadcasted_iota(jnp.int32, (_NC, _NC), 1)
    kustri = jnp.where(kr_i < kc_i, 1.0, 0.0)
    pref = jnp.dot(s, kustri, preferred_element_type=jnp.float32)
    rank = jnp.concatenate(
        [parts[k] + pref[:, k:k + 1] for k in range(_NC)], axis=1)

    nblk_e = jnp.floor((cnt + (_B - 1)) / _B)
    e_r = jax.lax.broadcasted_iota(jnp.int32, (_E, _E), 0)
    e_c = jax.lax.broadcasted_iota(jnp.int32, (_E, _E), 1)
    ltri_inc = jnp.where(e_c <= e_r, 1.0, 0.0)
    ends = jnp.dot(ltri_inc, nblk_e,
                   preferred_element_type=jnp.float32)
    rowoff = (ends - nblk_e) * _B

    posm = rowoff + rank
    pos1 = jnp.sum(jnp.where(sub == i1, posm, 0.0), axis=0, keepdims=True)
    pos2 = jnp.sum(jnp.where(sub == i2, posm, 0.0), axis=0, keepdims=True)
    posT_ref[...] = jnp.concatenate([pos1, pos2], axis=0).astype(jnp.int32)

    b_iota = jax.lax.broadcasted_iota(jnp.int32, (1, _NBLK), 1).astype(
        jnp.float32)
    bexp = jnp.zeros((1, _NBLK), jnp.float32)
    for e in range(_E):
        bexp = bexp + jnp.where(b_iota >= ends[e:e + 1, 0:1], 1.0, 0.0)
    bexp_ref[...] = jnp.minimum(bexp, _E - 1).astype(jnp.int32)
    nact_ref[...] = jnp.sum(nblk_e, keepdims=True).astype(jnp.int32)


def _route(x, gw1, gb1, gw2, gb2):
    return pl.pallas_call(
        _route_kernel,
        out_shape=[
            jax.ShapeDtypeStruct((_T, _E), jnp.float32),
            jax.ShapeDtypeStruct((2, _T), jnp.int32),
            jax.ShapeDtypeStruct((1, _NBLK), jnp.int32),
            jax.ShapeDtypeStruct((1, 1), jnp.int32),
            jax.ShapeDtypeStruct((_E, 1), jnp.float32),
        ],
    )(x, gw1, gb1.reshape(1, _G), gw2, gb2.reshape(1, _E))


def _aux_kernel(logits_ref, cnt_ref, w12T_ref, aux_ref):
    lt = logits_ref[...].T
    m = jnp.max(lt, axis=0, keepdims=True)
    ex = jnp.exp(lt - m)
    p = ex / jnp.sum(ex, axis=0, keepdims=True)
    sub = jax.lax.broadcasted_iota(jnp.int32, (_E, _T), 0)
    m1 = jnp.max(p, axis=0, keepdims=True)
    i1 = jnp.min(jnp.where(p == m1, sub, _E), axis=0, keepdims=True)
    pm = jnp.where(sub == i1, -1.0, p)
    m2 = jnp.max(pm, axis=0, keepdims=True)
    denom = m1 + m2 + 1e-9
    w12T_ref[...] = jnp.concatenate([m1 / denom, m2 / denom], axis=0)
    load = cnt_ref[...] / (_T + 1e-9)
    lbm = jnp.mean(load)
    lbl = jnp.sum((load - lbm) ** 2) / (_E - 1)
    ent = -jnp.sum(p * jnp.log(p + 1e-9)) / _T
    aux_ref[...] = jnp.reshape(lbl + ent, (1, 1))


def _aux(logits, cnt):
    return pl.pallas_call(
        _aux_kernel,
        out_shape=[
            jax.ShapeDtypeStruct((2, _T), jnp.float32),
            jax.ShapeDtypeStruct((1, 1), jnp.float32),
        ],
    )(logits, cnt)


_NW = 32
_PW = (2 * _T) // _NW


def _sc_scatter(x, posF):
    @functools.partial(
        pl.kernel,
        out_type=jax.ShapeDtypeStruct((_NROWS, _D), jnp.float32),
        mesh=plsc.VectorSubcoreMesh(core_axis_name="c", subcore_axis_name="s"),
        scratch_types=[
            pltpu.VMEM((_PW,), jnp.int32),
            pltpu.VMEM((_PW, _D), jnp.float32),
            pltpu.SemaphoreType.DMA,
        ],
    )
    def k(x_hbm, i_hbm, xs_hbm, idx_v, rows_v, sem):
        wid = jax.lax.axis_index("s") * 2 + jax.lax.axis_index("c")
        slot = wid // (_T // _PW)
        tok_base = (wid % (_T // _PW)) * _PW
        pltpu.sync_copy(i_hbm.at[slot, pl.ds(tok_base, _PW)], idx_v)
        pltpu.sync_copy(x_hbm.at[pl.ds(tok_base, _PW)], rows_v)
        pltpu.async_copy(rows_v, xs_hbm.at[idx_v], sem).wait()

    return k(x, posF)


def _sc_gather(ys, posF):
    @functools.partial(
        pl.kernel,
        out_type=jax.ShapeDtypeStruct((2 * _T, _D), jnp.float32),
        mesh=plsc.VectorSubcoreMesh(core_axis_name="c", subcore_axis_name="s"),
        scratch_types=[
            pltpu.VMEM((_PW,), jnp.int32),
            pltpu.VMEM((_PW, _D), jnp.float32),
            pltpu.SemaphoreType.DMA,
        ],
    )
    def k(ys_hbm, i_hbm, o_hbm, idx_v, rows_v, sem):
        wid = jax.lax.axis_index("s") * 2 + jax.lax.axis_index("c")
        base = wid * _PW
        slot = wid // (_T // _PW)
        col = (wid % (_T // _PW)) * _PW
        pltpu.sync_copy(i_hbm.at[slot, pl.ds(col, _PW)], idx_v)
        pltpu.async_copy(ys_hbm.at[idx_v], rows_v, sem).wait()
        pltpu.sync_copy(rows_v, o_hbm.at[pl.ds(base, _PW)])

    return k(ys, posF)


def _gemm_kernel(bexp_ref, nact_ref, xs_ref, wh_ref, bh_ref, wo_ref, bo_ref,
                 out_ref):
    b = pl.program_id(0)

    @pl.when(b < nact_ref[0])
    def _():
        h = jnp.maximum(
            jnp.dot(xs_ref[...], wh_ref[0], preferred_element_type=jnp.float32)
            + bh_ref[0], 0.0)
        out_ref[...] = (
            jnp.dot(h, wo_ref[0], preferred_element_type=jnp.float32)
            + bo_ref[0])


def _grouped_gemm(bexp, nact, xs, wh, bh, wo, bo):
    def _clamp(b, bexp_ref, nact_ref):
        return bexp_ref[jnp.minimum(b, nact_ref[0] - 1)]

    grid_spec = pltpu.PrefetchScalarGridSpec(
        num_scalar_prefetch=2,
        grid=(_NBLK,),
        in_specs=[
            pl.BlockSpec((_B, _D),
                         lambda b, be, na: (jnp.minimum(b, na[0] - 1), 0)),
            pl.BlockSpec((1, _D, _H), lambda b, be, na: (_clamp(b, be, na), 0, 0)),
            pl.BlockSpec((1, 1, _H), lambda b, be, na: (_clamp(b, be, na), 0, 0)),
            pl.BlockSpec((1, _H, _D), lambda b, be, na: (_clamp(b, be, na), 0, 0)),
            pl.BlockSpec((1, 1, _D), lambda b, be, na: (_clamp(b, be, na), 0, 0)),
        ],
        out_specs=pl.BlockSpec(
            (_B, _D),
            lambda b, be, na: (jnp.where(b < na[0], b, _NBLK - 1), 0)),
    )
    return pl.pallas_call(
        _gemm_kernel,
        grid_spec=grid_spec,
        out_shape=jax.ShapeDtypeStruct((_NROWS, _D), jnp.float32),
        compiler_params=pltpu.CompilerParams(
            dimension_semantics=("parallel",),
        ),
    )(bexp, nact, xs, wh, bh.reshape(_E, 1, _H), wo, bo.reshape(_E, 1, _D))


_BC = 512


def _combine_kernel(y_ref, w_ref, out_ref):
    out_ref[...] = (y_ref[0] * w_ref[:, 0:1] + y_ref[1] * w_ref[:, 1:2])


def _combine(ysg3, w12):
    nt = _T // _BC
    return pl.pallas_call(
        _combine_kernel,
        grid=(nt,),
        in_specs=[
            pl.BlockSpec((2, _BC, _D), lambda i: (0, i, 0)),
            pl.BlockSpec((_BC, 2), lambda i: (i, 0)),
        ],
        out_specs=pl.BlockSpec((_BC, _D), lambda i: (i, 0)),
        out_shape=jax.ShapeDtypeStruct((_T, _D), jnp.float32),
        compiler_params=pltpu.CompilerParams(
            dimension_semantics=("parallel",),
        ),
    )(ysg3, w12)


def kernel(x, gw1, gb1, gw2, gb2, wh, bh, wo, bo):
    logits, posT, bexp, nact, cnt = _route(x, gw1, gb1, gw2, gb2)
    w12T, aux = _aux(logits, cnt)
    xs = _sc_scatter(x, posT)
    ys = _grouped_gemm(bexp.reshape(_NBLK), nact.reshape(1), xs,
                       wh, bh, wo, bo)
    ysg = _sc_gather(ys, posT)
    out = _combine(ysg.reshape(2, _T, _D), w12T.T)
    return out, aux.reshape(())

# --- scband reference (transcript-rebuilt; emitter-appended) ---
"""Pipeline reference for scband-mo-e-18159121727733 (READ-ONLY COPY).

The authoritative reference and input builder live on the scoring server;
editing this copy changes nothing except your own understanding.
"""

import jax, jax.numpy as jnp
import numpy as np

T, D, G, H, E, TOP_K = 2048, 768, 256, 1536, 8, 2

def _xavier(k, shape):
    fan_in, fan_out = shape[-2], shape[-1]
    limit = (6.0 / (fan_in + fan_out)) ** 0.5
    return jax.random.uniform(k, shape, jnp.float32, -limit, limit)

def setup_inputs(seed: int = 0) -> dict:
    key = jax.random.key(seed)
    ks = jax.random.split(key, 6)
    x = jax.random.normal(ks[0], (T, D), jnp.float32)
    gw1 = _xavier(ks[1], (D, G)); gb1 = jnp.zeros((G,), jnp.float32)
    gw2 = _xavier(ks[2], (G, E)); gb2 = jnp.zeros((E,), jnp.float32)
    wh = _xavier(ks[3], (E, D, H)); bh = jnp.zeros((E, H), jnp.float32)
    wo = _xavier(ks[4], (E, H, D)); bo = jnp.zeros((E, D), jnp.float32)
    return {"x": x, "gw1": gw1, "gb1": gb1, "gw2": gw2, "gb2": gb2,
            "wh": wh, "bh": bh, "wo": wo, "bo": bo}

def reference(x, gw1, gb1, gw2, gb2, wh, bh, wo, bo):
    batch_size = x.shape[0]
    num_experts = gw2.shape[1]
    # gate (dropout is identity in eval mode)
    g_hidden = jax.nn.relu(x @ gw1 + gb1)
    gate_logits = g_hidden @ gw2 + gb2
    gate_scores = jax.nn.softmax(gate_logits, axis=1)
    top_k_scores, top_k_indices = jax.lax.top_k(gate_scores, TOP_K)
    # all experts computed densely: [E, T, D]
    h = jax.nn.relu(jnp.einsum('td,edh->eth', x, wh) + bh[:, None, :])
    expert_outputs = jnp.einsum('eth,ehd->etd', h, wo) + bo[:, None, :]
    expert_outputs = jnp.transpose(expert_outputs, (1, 0, 2))  # [T, E, D]
    # gather selected experts per token
    selected = jnp.take_along_axis(expert_outputs, top_k_indices[:, :, None], axis=1)  # [T, k, D]
    scaled = selected * top_k_scores[:, :, None]
    scaled = scaled / (jnp.sum(top_k_scores, axis=1, keepdims=True)[:, :, None] + 1e-9)
    combined_output = jnp.sum(scaled, axis=1)  # [T, D]
    # auxiliary loss
    one_hot = jax.nn.one_hot(top_k_indices, num_experts, dtype=jnp.float32)  # [T, k, E]
    expert_load = jnp.sum(one_hot, axis=(0, 1)) / (batch_size + 1e-9)
    load_balancing_loss = jnp.var(expert_load, ddof=1)  # torch .var() default unbiased
    entropy = -jnp.mean(jnp.sum(gate_scores * jnp.log(gate_scores + 1e-9), axis=1))
    aux_loss = 1.0 * load_balancing_loss + 1.0 * entropy
    return (combined_output, aux_loss)

if __name__ == "__main__":
    import jax
    _d = setup_inputs()
    print(jax.jit(kernel)(*tuple(_d.values())))

</pallas_src>

<mosaic_0001>
#map = affine_map<(d0, d1) -> (0, 0)>
module attributes {stable_mosaic.version = 14 : i64} {
  func.func @k(%arg0: i32, %arg1: i32, %arg2: memref<6144x768xf32, #tpu.memory_space<hbm>>, %arg3: memref<2x2048xi32, #tpu.memory_space<hbm>>, %arg4: memref<4096x768xf32, #tpu.memory_space<hbm>>, %arg5: memref<128xi32, #tpu.memory_space<vmem>>, %arg6: memref<128x768xf32, #tpu.memory_space<vmem>>, %arg7: memref<!tpu.dma_semaphore, #tpu.memory_space<semaphore_mem>>) attributes {dimension_semantics = [#tpu.dimension_semantics<core_parallel>, #tpu.dimension_semantics<subcore_parallel>], iteration_bounds = array<i64: 2, 16>, scalar_prefetch = 0 : i64, scratch_operands = 3 : i64, tpu.core_type = #tpu.core_type<sc_vector_subcore>, window_params = [{transform_indices = #map}, {transform_indices = #map}, {transform_indices = #map}]} {
    %mul3A = arith.constant 2 : i32
    %mul3A_0 = arith.muli %arg1, %mul3A : i32
    %add3A = arith.addi %mul3A_0, %arg0 : i32
    %mul3A_1 = arith.constant 128 : i32
    %mul3A_2 = arith.muli %add3A, %mul3A_1 : i32
    %jit3A = arith.constant 16 : i32
    %div3A = arith.divsi %add3A, %jit3A : i32
    %sign3A = arith.constant 0 : i32
    %sign3A_3 = arith.cmpi sgt, %add3A, %sign3A : i32
    %sign3A_4 = arith.extui %sign3A_3 : i1 to i32
    %sign3A_5 = arith.constant 0 : i32
    %sign3A_6 = arith.cmpi slt, %add3A, %sign3A_5 : i32
    %sign3A_7 = arith.extui %sign3A_6 : i1 to i32
    %sign3A_8 = arith.subi %sign3A_4, %sign3A_7 : i32
    %sign3A_9 = arith.constant 0 : i32
    %sign3A_10 = arith.cmpi sgt, %jit3A, %sign3A_9 : i32
    %sign3A_11 = arith.extui %sign3A_10 : i1 to i32
    %sign3A_12 = arith.constant 0 : i32
    %sign3A_13 = arith.cmpi slt, %jit3A, %sign3A_12 : i32
    %sign3A_14 = arith.extui %sign3A_13 : i1 to i32
    %sign3A_15 = arith.subi %sign3A_11, %sign3A_14 : i32
    %ne3A = arith.cmpi ne, %sign3A_8, %sign3A_15 : i32
    %rem3A = arith.remsi %add3A, %jit3A : i32
    %ne3A_16 = arith.constant 0 : i32
    %ne3A_17 = arith.cmpi ne, %rem3A, %ne3A_16 : i32
    %and3A = arith.andi %ne3A, %ne3A_17 : i1
    %sub3A = arith.constant 1 : i32
    %sub3A_18 = arith.subi %div3A, %sub3A : i32
    %select_n3A = arith.select %and3A, %sub3A_18, %div3A : i32
    %jit3A_19 = arith.constant 16 : i32
    %eq3A = arith.constant 0 : i32
    %eq3A_20 = arith.cmpi eq, %jit3A_19, %eq3A : i32
    %jit3A_21 = arith.constant 1 : i32
    %select_n3A_22 = arith.select %eq3A_20, %jit3A_21, %jit3A_19 : i32
    %rem3A_23 = arith.remsi %add3A, %select_n3A_22 : i32
    %ne3A_24 = arith.constant 0 : i32
    %ne3A_25 = arith.cmpi ne, %rem3A_23, %ne3A_24 : i32
    %lt3A = arith.constant 0 : i32
    %lt3A_26 = arith.cmpi slt, %rem3A_23, %lt3A : i32
    %lt3A_27 = arith.constant 0 : i32
    %lt3A_28 = arith.cmpi slt, %select_n3A_22, %lt3A_27 : i32
    %ne3A_29 = arith.xori %lt3A_26, %lt3A_28 : i1
    %and3A_30 = arith.andi %ne3A_29, %ne3A_25 : i1
    %add3A_31 = arith.addi %rem3A_23, %select_n3A_22 : i32
    %select_n3A_32 = arith.select %and3A_30, %add3A_31, %rem3A_23 : i32
    %mul3A_33 = arith.constant 128 : i32
    %mul3A_34 = arith.muli %select_n3A_32, %mul3A_33 : i32
    "tpu.region"() ({
      %run_scoped3A = tpu.sem_alloc : memref<!tpu.dma_semaphore, #tpu.memory_space<semaphore_mem>>
      %dma_start3A_39 = tpu.memref_slice %arg3[%select_n3A, %mul3A_34] : memref<2x2048xi32, #tpu.memory_space<hbm>> -> memref<1x128xi32, #tpu.memory_space<hbm>>
      %dma_start3A_40 = tpu.memref_squeeze %dma_start3A_39 : memref<1x128xi32, #tpu.memory_space<hbm>> -> memref<128xi32, #tpu.memory_space<hbm>>
      %dma_start3A_41 = tpu.memref_slice %arg3[%select_n3A, %mul3A_34] : memref<2x2048xi32, #tpu.memory_space<hbm>> -> memref<1x128xi32, #tpu.memory_space<hbm>>
      %dma_start3A_42 = tpu.memref_squeeze %dma_start3A_41 : memref<1x128xi32, #tpu.memory_space<hbm>> -> memref<128xi32, #tpu.memory_space<hbm>>
      tpu.enqueue_dma source(%dma_start3A_42 : memref<128xi32, #tpu.memory_space<hbm>>) target(%arg5 : memref<128xi32, #tpu.memory_space<vmem>>) target_semaphore(%run_scoped3A : memref<!tpu.dma_semaphore, #tpu.memory_space<semaphore_mem>>)
      %dma_wait3A_43 = tpu.memref_slice %arg3[%select_n3A, %mul3A_34] : memref<2x2048xi32, #tpu.memory_space<hbm>> -> memref<1x128xi32, #tpu.memory_space<hbm>>
      %dma_wait3A_44 = tpu.memref_squeeze %dma_wait3A_43 : memref<1x128xi32, #tpu.memory_space<hbm>> -> memref<128xi32, #tpu.memory_space<hbm>>
      %dma_wait3A_45 = tpu.memref_slice %arg3[%select_n3A, %mul3A_34] : memref<2x2048xi32, #tpu.memory_space<hbm>> -> memref<1x128xi32, #tpu.memory_space<hbm>>
      %dma_wait3A_46 = tpu.memref_squeeze %dma_wait3A_45 : memref<1x128xi32, #tpu.memory_space<hbm>> -> memref<128xi32, #tpu.memory_space<hbm>>
      tpu.wait_dma2 semaphore(%run_scoped3A : memref<!tpu.dma_semaphore, #tpu.memory_space<semaphore_mem>>) src(%dma_wait3A_46 : memref<128xi32, #tpu.memory_space<hbm>>) dst(%arg5 : memref<128xi32, #tpu.memory_space<vmem>>)
      tpu.yield
    }) : () -> ()
    %dma_start3A = arith.constant 0 : i32
    %dma_start3A_35 = arith.constant 0 : i32
    %dma_start3A_36 = tpu.memref_slice %arg2[%dma_start3A, %dma_start3A_35] : memref<6144x768xf32, #tpu.memory_space<hbm>> -> memref<6144x768xf32, #tpu.memory_space<hbm>>
    tpu.enqueue_indirect_dma source(%dma_start3A_36 : memref<6144x768xf32, #tpu.memory_space<hbm>>) target(%arg6 : memref<128x768xf32, #tpu.memory_space<vmem>>) offsets(%arg5 : memref<128xi32, #tpu.memory_space<vmem>>) semaphore(%arg7 : memref<!tpu.dma_semaphore, #tpu.memory_space<semaphore_mem>>)
    %dma_wait3A = arith.constant 0 : i32
    %dma_wait3A_37 = arith.constant 0 : i32
    %dma_wait3A_38 = tpu.memref_slice %arg2[%dma_wait3A, %dma_wait3A_37] : memref<6144x768xf32, #tpu.memory_space<hbm>> -> memref<6144x768xf32, #tpu.memory_space<hbm>>
    tpu.wait_indirect_dma semaphore(%arg7 : memref<!tpu.dma_semaphore, #tpu.memory_space<semaphore_mem>>) src(%dma_wait3A_38 : memref<6144x768xf32, #tpu.memory_space<hbm>>) dst(%arg6 : memref<128x768xf32, #tpu.memory_space<vmem>>)
    "tpu.region"() ({
      %run_scoped3A = tpu.sem_alloc : memref<!tpu.dma_semaphore, #tpu.memory_space<semaphore_mem>>
      %dma_start3A_39 = arith.constant 0 : i32
      %dma_start3A_40 = tpu.memref_slice %arg4[%mul3A_2, %dma_start3A_39] : memref<4096x768xf32, #tpu.memory_space<hbm>> -> memref<128x768xf32, #tpu.memory_space<hbm>>
      %dma_start3A_41 = arith.constant 0 : i32
      %dma_start3A_42 = tpu.memref_slice %arg4[%mul3A_2, %dma_start3A_41] : memref<4096x768xf32, #tpu.memory_space<hbm>> -> memref<128x768xf32, #tpu.memory_space<hbm>>
      tpu.enqueue_dma source(%arg6 : memref<128x768xf32, #tpu.memory_space<vmem>>) target(%dma_start3A_42 : memref<128x768xf32, #tpu.memory_space<hbm>>) target_semaphore(%run_scoped3A : memref<!tpu.dma_semaphore, #tpu.memory_space<semaphore_mem>>)
      %dma_wait3A_43 = arith.constant 0 : i32
      %dma_wait3A_44 = tpu.memref_slice %arg4[%mul3A_2, %dma_wait3A_43] : memref<4096x768xf32, #tpu.memory_space<hbm>> -> memref<128x768xf32, #tpu.memory_space<hbm>>
      %dma_wait3A_45 = arith.constant 0 : i32
      %dma_wait3A_46 = tpu.memref_slice %arg4[%mul3A_2, %dma_wait3A_45] : memref<4096x768xf32, #tpu.memory_space<hbm>> -> memref<128x768xf32, #tpu.memory_space<hbm>>
      tpu.wait_dma2 semaphore(%run_scoped3A : memref<!tpu.dma_semaphore, #tpu.memory_space<semaphore_mem>>) src(%arg6 : memref<128x768xf32, #tpu.memory_space<vmem>>) dst(%dma_wait3A_46 : memref<128x768xf32, #tpu.memory_space<hbm>>)
      tpu.yield
    }) : () -> ()
    return
  }
}

#map = affine_map<(d0, d1) -> (0, 0)>
module attributes {stable_mosaic.version = 14 : i64} {
  func.func @k(%arg0: i32, %arg1: i32, %arg2: memref<2048x768xf32, #tpu.memory_space<hbm>>, %arg3: memref<2x2048xi32, #tpu.memory_space<hbm>>, %arg4: memref<6144x768xf32, #tpu.memory_space<hbm>>, %arg5: memref<128xi32, #tpu.memory_space<vmem>>, %arg6: memref<128x768xf32, #tpu.memory_space<vmem>>, %arg7: memref<!tpu.dma_semaphore, #tpu.memory_space<semaphore_mem>>) attributes {dimension_semantics = [#tpu.dimension_semantics<core_parallel>, #tpu.dimension_semantics<subcore_parallel>], iteration_bounds = array<i64: 2, 16>, scalar_prefetch = 0 : i64, scratch_operands = 3 : i64, tpu.core_type = #tpu.core_type<sc_vector_subcore>, window_params = [{transform_indices = #map}, {transform_indices = #map}, {transform_indices = #map}]} {
    %mul3A = arith.constant 2 : i32
    %mul3A_0 = arith.muli %arg1, %mul3A : i32
    %add3A = arith.addi %mul3A_0, %arg0 : i32
    %jit3A = arith.constant 16 : i32
    %div3A = arith.divsi %add3A, %jit3A : i32
    %sign3A = arith.constant 0 : i32
    %sign3A_1 = arith.cmpi sgt, %add3A, %sign3A : i32
    %sign3A_2 = arith.extui %sign3A_1 : i1 to i32
    %sign3A_3 = arith.constant 0 : i32
    %sign3A_4 = arith.cmpi slt, %add3A, %sign3A_3 : i32
    %sign3A_5 = arith.extui %sign3A_4 : i1 to i32
    %sign3A_6 = arith.subi %sign3A_2, %sign3A_5 : i32
    %sign3A_7 = arith.constant 0 : i32
    %sign3A_8 = arith.cmpi sgt, %jit3A, %sign3A_7 : i32
    %sign3A_9 = arith.extui %sign3A_8 : i1 to i32
    %sign3A_10 = arith.constant 0 : i32
    %sign3A_11 = arith.cmpi slt, %jit3A, %sign3A_10 : i32
    %sign3A_12 = arith.extui %sign3A_11 : i1 to i32
    %sign3A_13 = arith.subi %sign3A_9, %sign3A_12 : i32
    %ne3A = arith.cmpi ne, %sign3A_6, %sign3A_13 : i32
    %rem3A = arith.remsi %add3A, %jit3A : i32
    %ne3A_14 = arith.constant 0 : i32
    %ne3A_15 = arith.cmpi ne, %rem3A, %ne3A_14 : i32
    %and3A = arith.andi %ne3A, %ne3A_15 : i1
    %sub3A = arith.constant 1 : i32
    %sub3A_16 = arith.subi %div3A, %sub3A : i32
    %select_n3A = arith.select %and3A, %sub3A_16, %div3A : i32
    %jit3A_17 = arith.constant 16 : i32
    %eq3A = arith.constant 0 : i32
    %eq3A_18 = arith.cmpi eq, %jit3A_17, %eq3A : i32
    %jit3A_19 = arith.constant 1 : i32
    %select_n3A_20 = arith.select %eq3A_18, %jit3A_19, %jit3A_17 : i32
    %rem3A_21 = arith.remsi %add3A, %select_n3A_20 : i32
    %ne3A_22 = arith.constant 0 : i32
    %ne3A_23 = arith.cmpi ne, %rem3A_21, %ne3A_22 : i32
    %lt3A = arith.constant 0 : i32
    %lt3A_24 = arith.cmpi slt, %rem3A_21, %lt3A : i32
    %lt3A_25 = arith.constant 0 : i32
    %lt3A_26 = arith.cmpi slt, %select_n3A_20, %lt3A_25 : i32
    %ne3A_27 = arith.xori %lt3A_24, %lt3A_26 : i1
    %and3A_28 = arith.andi %ne3A_27, %ne3A_23 : i1
    %add3A_29 = arith.addi %rem3A_21, %select_n3A_20 : i32
    %select_n3A_30 = arith.select %and3A_28, %add3A_29, %rem3A_21 : i32
    %mul3A_31 = arith.constant 128 : i32
    %mul3A_32 = arith.muli %select_n3A_30, %mul3A_31 : i32
    "tpu.region"() ({
      %run_scoped3A = tpu.sem_alloc : memref<!tpu.dma_semaphore, #tpu.memory_space<semaphore_mem>>
      %dma_start3A_37 = tpu.memref_slice %arg3[%select_n3A, %mul3A_32] : memref<2x2048xi32, #tpu.memory_space<hbm>> -> memref<1x128xi32, #tpu.memory_space<hbm>>
      %dma_start3A_38 = tpu.memref_squeeze %dma_start3A_37 : memref<1x128xi32, #tpu.memory_space<hbm>> -> memref<128xi32, #tpu.memory_space<hbm>>
      %dma_start3A_39 = tpu.memref_slice %arg3[%select_n3A, %mul3A_32] : memref<2x2048xi32, #tpu.memory_space<hbm>> -> memref<1x128xi32, #tpu.memory_space<hbm>>
      %dma_start3A_40 = tpu.memref_squeeze %dma_start3A_39 : memref<1x128xi32, #tpu.memory_space<hbm>> -> memref<128xi32, #tpu.memory_space<hbm>>
      tpu.enqueue_dma source(%dma_start3A_40 : memref<128xi32, #tpu.memory_space<hbm>>) target(%arg5 : memref<128xi32, #tpu.memory_space<vmem>>) target_semaphore(%run_scoped3A : memref<!tpu.dma_semaphore, #tpu.memory_space<semaphore_mem>>)
      %dma_wait3A_41 = tpu.memref_slice %arg3[%select_n3A, %mul3A_32] : memref<2x2048xi32, #tpu.memory_space<hbm>> -> memref<1x128xi32, #tpu.memory_space<hbm>>
      %dma_wait3A_42 = tpu.memref_squeeze %dma_wait3A_41 : memref<1x128xi32, #tpu.memory_space<hbm>> -> memref<128xi32, #tpu.memory_space<hbm>>
      %dma_wait3A_43 = tpu.memref_slice %arg3[%select_n3A, %mul3A_32] : memref<2x2048xi32, #tpu.memory_space<hbm>> -> memref<1x128xi32, #tpu.memory_space<hbm>>
      %dma_wait3A_44 = tpu.memref_squeeze %dma_wait3A_43 : memref<1x128xi32, #tpu.memory_space<hbm>> -> memref<128xi32, #tpu.memory_space<hbm>>
      tpu.wait_dma2 semaphore(%run_scoped3A : memref<!tpu.dma_semaphore, #tpu.memory_space<semaphore_mem>>) src(%dma_wait3A_44 : memref<128xi32, #tpu.memory_space<hbm>>) dst(%arg5 : memref<128xi32, #tpu.memory_space<vmem>>)
      tpu.yield
    }) : () -> ()
    "tpu.region"() ({
      %run_scoped3A = tpu.sem_alloc : memref<!tpu.dma_semaphore, #tpu.memory_space<semaphore_mem>>
      %dma_start3A_37 = arith.constant 0 : i32
      %dma_start3A_38 = tpu.memref_slice %arg2[%mul3A_32, %dma_start3A_37] : memref<2048x768xf32, #tpu.memory_space<hbm>> -> memref<128x768xf32, #tpu.memory_space<hbm>>
      %dma_start3A_39 = arith.constant 0 : i32
      %dma_start3A_40 = tpu.memref_slice %arg2[%mul3A_32, %dma_start3A_39] : memref<2048x768xf32, #tpu.memory_space<hbm>> -> memref<128x768xf32, #tpu.memory_space<hbm>>
      tpu.enqueue_dma source(%dma_start3A_40 : memref<128x768xf32, #tpu.memory_space<hbm>>) target(%arg6 : memref<128x768xf32, #tpu.memory_space<vmem>>) target_semaphore(%run_scoped3A : memref<!tpu.dma_semaphore, #tpu.memory_space<semaphore_mem>>)
      %dma_wait3A_41 = arith.constant 0 : i32
      %dma_wait3A_42 = tpu.memref_slice %arg2[%mul3A_32, %dma_wait3A_41] : memref<2048x768xf32, #tpu.memory_space<hbm>> -> memref<128x768xf32, #tpu.memory_space<hbm>>
      %dma_wait3A_43 = arith.constant 0 : i32
      %dma_wait3A_44 = tpu.memref_slice %arg2[%mul3A_32, %dma_wait3A_43] : memref<2048x768xf32, #tpu.memory_space<hbm>> -> memref<128x768xf32, #tpu.memory_space<hbm>>
      tpu.wait_dma2 semaphore(%run_scoped3A : memref<!tpu.dma_semaphore, #tpu.memory_space<semaphore_mem>>) src(%dma_wait3A_44 : memref<128x768xf32, #tpu.memory_space<hbm>>) dst(%arg6 : memref<128x768xf32, #tpu.memory_space<vmem>>)
      tpu.yield
    }) : () -> ()
    %dma_start3A = arith.constant 0 : i32
    %dma_start3A_33 = arith.constant 0 : i32
    %dma_start3A_34 = tpu.memref_slice %arg4[%dma_start3A, %dma_start3A_33] : memref<6144x768xf32, #tpu.memory_space<hbm>> -> memref<6144x768xf32, #tpu.memory_space<hbm>>
    tpu.enqueue_indirect_dma source(%arg6 : memref<128x768xf32, #tpu.memory_space<vmem>>) target(%dma_start3A_34 : memref<6144x768xf32, #tpu.memory_space<hbm>>) offsets(%arg5 : memref<128xi32, #tpu.memory_space<vmem>>) semaphore(%arg7 : memref<!tpu.dma_semaphore, #tpu.memory_space<semaphore_mem>>)
    %dma_wait3A = arith.constant 0 : i32
    %dma_wait3A_35 = arith.constant 0 : i32
    %dma_wait3A_36 = tpu.memref_slice %arg4[%dma_wait3A, %dma_wait3A_35] : memref<6144x768xf32, #tpu.memory_space<hbm>> -> memref<6144x768xf32, #tpu.memory_space<hbm>>
    tpu.wait_indirect_dma semaphore(%arg7 : memref<!tpu.dma_semaphore, #tpu.memory_space<semaphore_mem>>) src(%arg6 : memref<128x768xf32, #tpu.memory_space<vmem>>) dst(%dma_wait3A_36 : memref<6144x768xf32, #tpu.memory_space<hbm>>)
    return
  }
}

module attributes {stable_mosaic.version = 14 : i64} {
  func.func @_route_kernel(%arg0: memref<2048x768xf32, #tpu.memory_space<vmem>>, %arg1: memref<768x256xf32, #tpu.memory_space<vmem>>, %arg2: memref<1x256xf32, #tpu.memory_space<vmem>>, %arg3: memref<256x8xf32, #tpu.memory_space<vmem>>, %arg4: memref<1x8xf32, #tpu.memory_space<vmem>>, %arg5: memref<2048x8xf32, #tpu.memory_space<vmem>>, %arg6: memref<2x2048xi32, #tpu.memory_space<vmem>>, %arg7: memref<1x24xi32, #tpu.memory_space<vmem>>, %arg8: memref<1x1xi32, #tpu.memory_space<vmem>>, %arg9: memref<8x1xf32, #tpu.memory_space<vmem>>) attributes {dimension_semantics = [], scalar_prefetch = 0 : i64, scratch_operands = 0 : i64, tpu.core_type = #tpu.core_type<tc>} {
    %get3A = arith.constant 0 : index
    %get3A_0 = arith.constant 0 : index
    %get3A_1 = vector.load %arg0[%get3A, %get3A_0] : memref<2048x768xf32, #tpu.memory_space<vmem>>, vector<2048x768xf32>
    %get3A_2 = arith.constant 0 : index
    %get3A_3 = arith.constant 0 : index
    %get3A_4 = vector.load %arg1[%get3A_2, %get3A_3] : memref<768x256xf32, #tpu.memory_space<vmem>>, vector<768x256xf32>
    %dot_general3A = arith.constant dense<0.000000e+00> : vector<2048x256xf32>
    %dot_general3A_5 = tpu.matmul %get3A_1, %get3A_4, %dot_general3A {dimension_numbers = #tpu.dot_dimension_numbers<[1], [0], [0], [1], [0, 0, 1, 1], [], []>, transpose_lhs_hint = false} : vector<2048x768xf32>, vector<768x256xf32>, vector<2048x256xf32> -> vector<2048x256xf32>
    %get3A_6 = arith.constant 0 : index
    %get3A_7 = arith.constant 0 : index
    %get3A_8 = vector.load %arg2[%get3A_6, %get3A_7] : memref<1x256xf32, #tpu.memory_space<vmem>>, vector<1x256xf32>
    %add3A = vector.broadcast %get3A_8 : vector<1x256xf32> to vector<2048x256xf32>
    %add3A_9 = arith.addf %dot_general3A_5, %add3A : vector<2048x256xf32>
    %max3A = arith.constant 0.000000e+00 : f32
    %max3A_10 = vector.broadcast %max3A : f32 to vector<2048x256xf32>
    %max3A_11 = arith.maximumf %add3A_9, %max3A_10 : vector<2048x256xf32>
    %get3A_12 = arith.constant 0 : index
    %get3A_13 = arith.constant 0 : index
    %get3A_14 = vector.load %arg3[%get3A_12, %get3A_13] : memref<256x8xf32, #tpu.memory_space<vmem>>, vector<256x8xf32>
    %dot_general3A_15 = arith.constant dense<0.000000e+00> : vector<2048x8xf32>
    %dot_general3A_16 = tpu.matmul %max3A_11, %get3A_14, %dot_general3A_15 {dimension_numbers = #tpu.dot_dimension_numbers<[1], [0], [0], [1], [0, 0, 1, 1], [], []>, transpose_lhs_hint = false} : vector<2048x256xf32>, vector<256x8xf32>, vector<2048x8xf32> -> vector<2048x8xf32>
    %get3A_17 = arith.constant 0 : index
    %get3A_18 = arith.constant 0 : index
    %get3A_19 = vector.load %arg4[%get3A_17, %get3A_18] : memref<1x8xf32, #tpu.memory_space<vmem>>, vector<1x8xf32>
    %add3A_20 = vector.broadcast %get3A_19 : vector<1x8xf32> to vector<2048x8xf32>
    %add3A_21 = arith.addf %dot_general3A_16, %add3A_20 : vector<2048x8xf32>
    %swap3A = arith.constant 0 : index
    %swap3A_22 = arith.constant 0 : index
    %swap3A_23 = vector.load %arg5[%swap3A, %swap3A_22] : memref<2048x8xf32, #tpu.memory_space<vmem>>, vector<2048x8xf32>
    tpu.vector_store %arg5[%swap3A, %swap3A_22], %add3A_21 {strides = array<i32>} : memref<2048x8xf32, #tpu.memory_space<vmem>>, vector<2048x8xf32>,
    %transpose3A = tpu.transpose %add3A_21, [1, 0] : vector<2048x8xf32> -> vector<8x2048xf32>
    %iota3A = tpu.iota {dimensions = array<i32: 0>} : vector<8x2048xi32>
    %reduce_max3A = arith.constant dense<0xFF800000> : vector<2048xf32>
    %reduce_max3A_24 = vector.multi_reduction <maximumf>, %transpose3A, %reduce_max3A [0] : vector<8x2048xf32> to vector<2048xf32>
    %broadcast_in_dim3A = vector.shape_cast %reduce_max3A_24 : vector<2048xf32> to vector<1x2048xf32>
    %eq3A = vector.broadcast %broadcast_in_dim3A : vector<1x2048xf32> to vector<8x2048xf32>
    %eq3A_25 = arith.cmpf oeq, %transpose3A, %eq3A : vector<8x2048xf32>
    %jit3A = arith.constant 8 : i32
    %broadcast_in_dim3A_26 = vector.broadcast %jit3A : i32 to vector<8x2048xi32>
    %select_n3A = arith.select %eq3A_25, %iota3A, %broadcast_in_dim3A_26 : vector<8x2048xi1>, vector<8x2048xi32>
    %reduce_min3A = arith.constant dense<2147483647> : vector<2048xi32>
    %reduce_min3A_27 = vector.multi_reduction <minsi>, %select_n3A, %reduce_min3A [0] : vector<8x2048xi32> to vector<2048xi32>
    %broadcast_in_dim3A_28 = vector.shape_cast %reduce_min3A_27 : vector<2048xi32> to vector<1x2048xi32>
    %eq3A_29 = vector.broadcast %broadcast_in_dim3A_28 : vector<1x2048xi32> to vector<8x2048xi32>
    %eq3A_30 = arith.cmpi eq, %iota3A, %eq3A_29 : vector<8x2048xi32>
    %jit3A_31 = arith.constant 0xFF800000 : f32
    %broadcast_in_dim3A_32 = vector.broadcast %jit3A_31 : f32 to vector<8x2048xf32>
    %select_n3A_33 = arith.select %eq3A_30, %broadcast_in_dim3A_32, %transpose3A : vector<8x2048xi1>, vector<8x2048xf32>
    %reduce_max3A_34 = arith.constant dense<0xFF800000> : vector<2048xf32>
    %reduce_max3A_35 = vector.multi_reduction <maximumf>, %select_n3A_33, %reduce_max3A_34 [0] : vector<8x2048xf32> to vector<2048xf32>
    %broadcast_in_dim3A_36 = vector.shape_cast %reduce_max3A_35 : vector<2048xf32> to vector<1x2048xf32>
    %eq3A_37 = vector.broadcast %broadcast_in_dim3A_36 : vector<1x2048xf32> to vector<8x2048xf32>
    %eq3A_38 = arith.cmpf oeq, %select_n3A_33, %eq3A_37 : vector<8x2048xf32>
    %jit3A_39 = arith.constant 8 : i32
    %broadcast_in_dim3A_40 = vector.broadcast %jit3A_39 : i32 to vector<8x2048xi32>
    %select_n3A_41 = arith.select %eq3A_38, %iota3A, %broadcast_in_dim3A_40 : vector<8x2048xi1>, vector<8x2048xi32>
    %reduce_min3A_42 = arith.constant dense<2147483647> : vector<2048xi32>
    %reduce_min3A_43 = vector.multi_reduction <minsi>, %select_n3A_41, %reduce_min3A_42 [0] : vector<8x2048xi32> to vector<2048xi32>
    %broadcast_in_dim3A_44 = vector.shape_cast %reduce_min3A_43 : vector<2048xi32> to vector<1x2048xi32>
    %eq3A_45 = vector.broadcast %broadcast_in_dim3A_28 : vector<1x2048xi32> to vector<8x2048xi32>
    %eq3A_46 = arith.cmpi eq, %iota3A, %eq3A_45 : vector<8x2048xi32>
    %jit3A_47 = arith.constant 1.000000e+00 : f32
    %jit3A_48 = arith.constant 0.000000e+00 : f32
    %broadcast_in_dim3A_49 = vector.broadcast %jit3A_47 : f32 to vector<8x2048xf32>
    %broadcast_in_dim3A_50 = vector.broadcast %jit3A_48 : f32 to vector<8x2048xf32>
    %select_n3A_51 = arith.select %eq3A_46, %broadcast_in_dim3A_49, %broadcast_in_dim3A_50 : vector<8x2048xi1>, vector<8x2048xf32>
    %eq3A_52 = vector.broadcast %broadcast_in_dim3A_44 : vector<1x2048xi32> to vector<8x2048xi32>
    %eq3A_53 = arith.cmpi eq, %iota3A, %eq3A_52 : vector<8x2048xi32>
    %jit3A_54 = arith.constant 1.000000e+00 : f32
    %jit3A_55 = arith.constant 0.000000e+00 : f32
    %broadcast_in_dim3A_56 = vector.broadcast %jit3A_54 : f32 to vector<8x2048xf32>
    %broadcast_in_dim3A_57 = vector.broadcast %jit3A_55 : f32 to vector<8x2048xf32>
    %select_n3A_58 = arith.select %eq3A_53, %broadcast_in_dim3A_56, %broadcast_in_dim3A_57 : vector<8x2048xi1>, vector<8x2048xf32>
    %add3A_59 = arith.addf %select_n3A_51, %select_n3A_58 : vector<8x2048xf32>
    %reduce_sum3A = arith.constant dense<0.000000e+00> : vector<8xf32>
    %reduce_sum3A_60 = vector.multi_reduction <add>, %add3A_59, %reduce_sum3A [1] : vector<8x2048xf32> to vector<8xf32>
    %broadcast_in_dim3A_61 = vector.shape_cast %reduce_sum3A_60 : vector<8xf32> to vector<8x1xf32>
    %swap3A_62 = arith.constant 0 : index
    %swap3A_63 = arith.constant 0 : index
    %swap3A_64 = vector.load %arg9[%swap3A_62, %swap3A_63] : memref<8x1xf32, #tpu.memory_space<vmem>>, vector<8x1xf32>
    tpu.vector_store %arg9[%swap3A_62, %swap3A_63], %broadcast_in_dim3A_61 {strides = array<i32>} : memref<8x1xf32, #tpu.memory_space<vmem>>, vector<8x1xf32>,
    %iota3A_65 = tpu.iota {dimensions = array<i32: 0>} : vector<128x128xi32>
    %iota3A_66 = tpu.iota {dimensions = array<i32: 1>} : vector<128x128xi32>
    %lt3A = arith.cmpi slt, %iota3A_65, %iota3A_66 : vector<128x128xi32>
    %jit3A_67 = arith.constant 1.000000e+00 : f32
    %jit3A_68 = arith.constant 0.000000e+00 : f32
    %broadcast_in_dim3A_69 = vector.broadcast %jit3A_67 : f32 to vector<128x128xf32>
    %broadcast_in_dim3A_70 = vector.broadcast %jit3A_68 : f32 to vector<128x128xf32>
    %select_n3A_71 = arith.select %lt3A, %broadcast_in_dim3A_69, %broadcast_in_dim3A_70 : vector<128x128xi1>, vector<128x128xf32>
    %slice3A = vector.extract_strided_slice %add3A_59 {offsets = [0, 0], sizes = [8, 128], strides = [1, 1]} : vector<8x2048xf32> to vector<8x128xf32>
    %dot_general3A_72 = arith.constant dense<0.000000e+00> : vector<8x128xf32>
    %dot_general3A_73 = tpu.matmul %slice3A, %select_n3A_71, %dot_general3A_72 {dimension_numbers = #tpu.dot_dimension_numbers<[1], [0], [0], [1], [0, 0, 1, 1], [], []>, transpose_lhs_hint = false} : vector<8x128xf32>, vector<128x128xf32>, vector<8x128xf32> -> vector<8x128xf32>
    %reduce_sum3A_74 = arith.constant dense<0.000000e+00> : vector<8xf32>
    %reduce_sum3A_75 = vector.multi_reduction <add>, %slice3A, %reduce_sum3A_74 [1] : vector<8x128xf32> to vector<8xf32>
    %broadcast_in_dim3A_76 = vector.shape_cast %reduce_sum3A_75 : vector<8xf32> to vector<8x1xf32>
    %slice3A_77 = vector.extract_strided_slice %add3A_59 {offsets = [0, 128], sizes = [8, 128], strides = [1, 1]} : vector<8x2048xf32> to vector<8x128xf32>
    %dot_general3A_78 = arith.constant dense<0.000000e+00> : vector<8x128xf32>
    %dot_general3A_79 = tpu.matmul %slice3A_77, %select_n3A_71, %dot_general3A_78 {dimension_numbers = #tpu.dot_dimension_numbers<[1], [0], [0], [1], [0, 0, 1, 1], [], []>, transpose_lhs_hint = false} : vector<8x128xf32>, vector<128x128xf32>, vector<8x128xf32> -> vector<8x128xf32>
    %reduce_sum3A_80 = arith.constant dense<0.000000e+00> : vector<8xf32>
    %reduce_sum3A_81 = vector.multi_reduction <add>, %slice3A_77, %reduce_sum3A_80 [1] : vector<8x128xf32> to vector<8xf32>
    %broadcast_in_dim3A_82 = vector.shape_cast %reduce_sum3A_81 : vector<8xf32> to vector<8x1xf32>
    %slice3A_83 = vector.extract_strided_slice %add3A_59 {offsets = [0, 256], sizes = [8, 128], strides = [1, 1]} : vector<8x2048xf32> to vector<8x128xf32>
    %dot_general3A_84 = arith.constant dense<0.000000e+00> : vector<8x128xf32>
    %dot_general3A_85 = tpu.matmul %slice3A_83, %select_n3A_71, %dot_general3A_84 {dimension_numbers = #tpu.dot_dimension_numbers<[1], [0], [0], [1], [0, 0, 1, 1], [], []>, transpose_lhs_hint = false} : vector<8x128xf32>, vector<128x128xf32>, vector<8x128xf32> -> vector<8x128xf32>
    %reduce_sum3A_86 = arith.constant dense<0.000000e+00> : vector<8xf32>
    %reduce_sum3A_87 = vector.multi_reduction <add>, %slice3A_83, %reduce_sum3A_86 [1] : vector<8x128xf32> to vector<8xf32>
    %broadcast_in_dim3A_88 = vector.shape_cast %reduce_sum3A_87 : vector<8xf32> to vector<8x1xf32>
    %slice3A_89 = vector.extract_strided_slice %add3A_59 {offsets = [0, 384], sizes = [8, 128], strides = [1, 1]} : vector<8x2048xf32> to vector<8x128xf32>
    %dot_general3A_90 = arith.constant dense<0.000000e+00> : vector<8x128xf32>
    %dot_general3A_91 = tpu.matmul %slice3A_89, %select_n3A_71, %dot_general3A_90 {dimension_numbers = #tpu.dot_dimension_numbers<[1], [0], [0], [1], [0, 0, 1, 1], [], []>, transpose_lhs_hint = false} : vector<8x128xf32>, vector<128x128xf32>, vector<8x128xf32> -> vector<8x128xf32>
    %reduce_sum3A_92 = arith.constant dense<0.000000e+00> : vector<8xf32>
    %reduce_sum3A_93 = vector.multi_reduction <add>, %slice3A_89, %reduce_sum3A_92 [1] : vector<8x128xf32> to vector<8xf32>
    %broadcast_in_dim3A_94 = vector.shape_cast %reduce_sum3A_93 : vector<8xf32> to vector<8x1xf32>
    %slice3A_95 = vector.extract_strided_slice %add3A_59 {offsets = [0, 512], sizes = [8, 128], strides = [1, 1]} : vector<8x2048xf32> to vector<8x128xf32>
    %dot_general3A_96 = arith.constant dense<0.000000e+00> : vector<8x128xf32>
    %dot_general3A_97 = tpu.matmul %slice3A_95, %select_n3A_71, %dot_general3A_96 {dimension_numbers = #tpu.dot_dimension_numbers<[1], [0], [0], [1], [0, 0, 1, 1], [], []>, transpose_lhs_hint = false} : vector<8x128xf32>, vector<128x128xf32>, vector<8x128xf32> -> vector<8x128xf32>
    %reduce_sum3A_98 = arith.constant dense<0.000000e+00> : vector<8xf32>
    %reduce_sum3A_99 = vector.multi_reduction <add>, %slice3A_95, %reduce_sum3A_98 [1] : vector<8x128xf32> to vector<8xf32>
    %broadcast_in_dim3A_100 = vector.shape_cast %reduce_sum3A_99 : vector<8xf32> to vector<8x1xf32>
    %slice3A_101 = vector.extract_strided_slice %add3A_59 {offsets = [0, 640], sizes = [8, 128], strides = [1, 1]} : vector<8x2048xf32> to vector<8x128xf32>
    %dot_general3A_102 = arith.constant dense<0.000000e+00> : vector<8x128xf32>
    %dot_general3A_103 = tpu.matmul %slice3A_101, %select_n3A_71, %dot_general3A_102 {dimension_numbers = #tpu.dot_dimension_numbers<[1], [0], [0], [1], [0, 0, 1, 1], [], []>, transpose_lhs_hint = false} : vector<8x128xf32>, vector<128x128xf32>, vector<8x128xf32> -> vector<8x128xf32>
    %reduce_sum3A_104 = arith.constant dense<0.000000e+00> : vector<8xf32>
    %reduce_sum3A_105 = vector.multi_reduction <add>, %slice3A_101, %reduce_sum3A_104 [1] : vector<8x128xf32> to vector<8xf32>
    %broadcast_in_dim3A_106 = vector.shape_cast %reduce_sum3A_105 : vector<8xf32> to vector<8x1xf32>
    %slice3A_107 = vector.extract_strided_slice %add3A_59 {offsets = [0, 768], sizes = [8, 128], strides = [1, 1]} : vector<8x2048xf32> to vector<8x128xf32>
    %dot_general3A_108 = arith.constant dense<0.000000e+00> : vector<8x128xf32>
    %dot_general3A_109 = tpu.matmul %slice3A_107, %select_n3A_71, %dot_general3A_108 {dimension_numbers = #tpu.dot_dimension_numbers<[1], [0], [0], [1], [0, 0, 1, 1], [], []>, transpose_lhs_hint = false} : vector<8x128xf32>, vector<128x128xf32>, vector<8x128xf32> -> vector<8x128xf32>
    %reduce_sum3A_110 = arith.constant dense<0.000000e+00> : vector<8xf32>
    %reduce_sum3A_111 = vector.multi_reduction <add>, %slice3A_107, %reduce_sum3A_110 [1] : vector<8x128xf32> to vector<8xf32>
    %broadcast_in_dim3A_112 = vector.shape_cast %reduce_sum3A_111 : vector<8xf32> to vector<8x1xf32>
    %slice3A_113 = vector.extract_strided_slice %add3A_59 {offsets = [0, 896], sizes = [8, 128], strides = [1, 1]} : vector<8x2048xf32> to vector<8x128xf32>
    %dot_general3A_114 = arith.constant dense<0.000000e+00> : vector<8x128xf32>
    %dot_general3A_115 = tpu.matmul %slice3A_113, %select_n3A_71, %dot_general3A_114 {dimension_numbers = #tpu.dot_dimension_numbers<[1], [0], [0], [1], [0, 0, 1, 1], [], []>, transpose_lhs_hint = false} : vector<8x128xf32>, vector<128x128xf32>, vector<8x128xf32> -> vector<8x128xf32>
    %reduce_sum3A_116 = arith.constant dense<0.000000e+00> : vector<8xf32>
    %reduce_sum3A_117 = vector.multi_reduction <add>, %slice3A_113, %reduce_sum3A_116 [1] : vector<8x128xf32> to vector<8xf32>
    %broadcast_in_dim3A_118 = vector.shape_cast %reduce_sum3A_117 : vector<8xf32> to vector<8x1xf32>
    %slice3A_119 = vector.extract_strided_slice %add3A_59 {offsets = [0, 1024], sizes = [8, 128], strides = [1, 1]} : vector<8x2048xf32> to vector<8x128xf32>
    %dot_general3A_120 = arith.constant dense<0.000000e+00> : vector<8x128xf32>
    %dot_general3A_121 = tpu.matmul %slice3A_119, %select_n3A_71, %dot_general3A_120 {dimension_numbers = #tpu.dot_dimension_numbers<[1], [0], [0], [1], [0, 0, 1, 1], [], []>, transpose_lhs_hint = false} : vector<8x128xf32>, vector<128x128xf32>, vector<8x128xf32> -> vector<8x128xf32>
    %reduce_sum3A_122 = arith.constant dense<0.000000e+00> : vector<8xf32>
    %reduce_sum3A_123 = vector.multi_reduction <add>, %slice3A_119, %reduce_sum3A_122 [1] : vector<8x128xf32> to vector<8xf32>
    %broadcast_in_dim3A_124 = vector.shape_cast %reduce_sum3A_123 : vector<8xf32> to vector<8x1xf32>
    %slice3A_125 = vector.extract_strided_slice %add3A_59 {offsets = [0, 1152], sizes = [8, 128], strides = [1, 1]} : vector<8x2048xf32> to vector<8x128xf32>
    %dot_general3A_126 = arith.constant dense<0.000000e+00> : vector<8x128xf32>
    %dot_general3A_127 = tpu.matmul %slice3A_125, %select_n3A_71, %dot_general3A_126 {dimension_numbers = #tpu.dot_dimension_numbers<[1], [0], [0], [1], [0, 0, 1, 1], [], []>, transpose_lhs_hint = false} : vector<8x128xf32>, vector<128x128xf32>, vector<8x128xf32> -> vector<8x128xf32>
    %reduce_sum3A_128 = arith.constant dense<0.000000e+00> : vector<8xf32>
    %reduce_sum3A_129 = vector.multi_reduction <add>, %slice3A_125, %reduce_sum3A_128 [1] : vector<8x128xf32> to vector<8xf32>
    %broadcast_in_dim3A_130 = vector.shape_cast %reduce_sum3A_129 : vector<8xf32> to vector<8x1xf32>
    %slice3A_131 = vector.extract_strided_slice %add3A_59 {offsets = [0, 1280], sizes = [8, 128], strides = [1, 1]} : vector<8x2048xf32> to vector<8x128xf32>
    %dot_general3A_132 = arith.constant dense<0.000000e+00> : vector<8x128xf32>
    %dot_general3A_133 = tpu.matmul %slice3A_131, %select_n3A_71, %dot_general3A_132 {dimension_numbers = #tpu.dot_dimension_numbers<[1], [0], [0], [1], [0, 0, 1, 1], [], []>, transpose_lhs_hint = false} : vector<8x128xf32>, vector<128x128xf32>, vector<8x128xf32> -> vector<8x128xf32>
    %reduce_sum3A_134 = arith.constant dense<0.000000e+00> : vector<8xf32>
    %reduce_sum3A_135 = vector.multi_reduction <add>, %slice3A_131, %reduce_sum3A_134 [1] : vector<8x128xf32> to vector<8xf32>
    %broadcast_in_dim3A_136 = vector.shape_cast %reduce_sum3A_135 : vector<8xf32> to vector<8x1xf32>
    %slice3A_137 = vector.extract_strided_slice %add3A_59 {offsets = [0, 1408], sizes = [8, 128], strides = [1, 1]} : vector<8x2048xf32> to vector<8x128xf32>
    %dot_general3A_138 = arith.constant dense<0.000000e+00> : vector<8x128xf32>
    %dot_general3A_139 = tpu.matmul %slice3A_137, %select_n3A_71, %dot_general3A_138 {dimension_numbers = #tpu.dot_dimension_numbers<[1], [0], [0], [1], [0, 0, 1, 1], [], []>, transpose_lhs_hint = false} : vector<8x128xf32>, vector<128x128xf32>, vector<8x128xf32> -> vector<8x128xf32>
    %reduce_sum3A_140 = arith.constant dense<0.000000e+00> : vector<8xf32>
    %reduce_sum3A_141 = vector.multi_reduction <add>, %slice3A_137, %reduce_sum3A_140 [1] : vector<8x128xf32> to vector<8xf32>
    %broadcast_in_dim3A_142 = vector.shape_cast %reduce_sum3A_141 : vector<8xf32> to vector<8x1xf32>
    %slice3A_143 = vector.extract_strided_slice %add3A_59 {offsets = [0, 1536], sizes = [8, 128], strides = [1, 1]} : vector<8x2048xf32> to vector<8x128xf32>
    %dot_general3A_144 = arith.constant dense<0.000000e+00> : vector<8x128xf32>
    %dot_general3A_145 = tpu.matmul %slice3A_143, %select_n3A_71, %dot_general3A_144 {dimension_numbers = #tpu.dot_dimension_numbers<[1], [0], [0], [1], [0, 0, 1, 1], [], []>, transpose_lhs_hint = false} : vector<8x128xf32>, vector<128x128xf32>, vector<8x128xf32> -> vector<8x128xf32>
    %reduce_sum3A_146 = arith.constant dense<0.000000e+00> : vector<8xf32>
    %reduce_sum3A_147 = vector.multi_reduction <add>, %slice3A_143, %reduce_sum3A_146 [1] : vector<8x128xf32> to vector<8xf32>
    %broadcast_in_dim3A_148 = vector.shape_cast %reduce_sum3A_147 : vector<8xf32> to vector<8x1xf32>
    %slice3A_149 = vector.extract_strided_slice %add3A_59 {offsets = [0, 1664], sizes = [8, 128], strides = [1, 1]} : vector<8x2048xf32> to vector<8x128xf32>
    %dot_general3A_150 = arith.constant dense<0.000000e+00> : vector<8x128xf32>
    %dot_general3A_151 = tpu.matmul %slice3A_149, %select_n3A_71, %dot_general3A_150 {dimension_numbers = #tpu.dot_dimension_numbers<[1], [0], [0], [1], [0, 0, 1, 1], [], []>, transpose_lhs_hint = false} : vector<8x128xf32>, vector<128x128xf32>, vector<8x128xf32> -> vector<8x128xf32>
    %reduce_sum3A_152 = arith.constant dense<0.000000e+00> : vector<8xf32>
    %reduce_sum3A_153 = vector.multi_reduction <add>, %slice3A_149, %reduce_sum3A_152 [1] : vector<8x128xf32> to vector<8xf32>
    %broadcast_in_dim3A_154 = vector.shape_cast %reduce_sum3A_153 : vector<8xf32> to vector<8x1xf32>
    %slice3A_155 = vector.extract_strided_slice %add3A_59 {offsets = [0, 1792], sizes = [8, 128], strides = [1, 1]} : vector<8x2048xf32> to vector<8x128xf32>
    %dot_general3A_156 = arith.constant dense<0.000000e+00> : vector<8x128xf32>
    %dot_general3A_157 = tpu.matmul %slice3A_155, %select_n3A_71, %dot_general3A_156 {dimension_numbers = #tpu.dot_dimension_numbers<[1], [0], [0], [1], [0, 0, 1, 1], [], []>, transpose_lhs_hint = false} : vector<8x128xf32>, vector<128x128xf32>, vector<8x128xf32> -> vector<8x128xf32>
    %reduce_sum3A_158 = arith.constant dense<0.000000e+00> : vector<8xf32>
    %reduce_sum3A_159 = vector.multi_reduction <add>, %slice3A_155, %reduce_sum3A_158 [1] : vector<8x128xf32> to vector<8xf32>
    %broadcast_in_dim3A_160 = vector.shape_cast %reduce_sum3A_159 : vector<8xf32> to vector<8x1xf32>
    %slice3A_161 = vector.extract_strided_slice %add3A_59 {offsets = [0, 1920], sizes = [8, 128], strides = [1, 1]} : vector<8x2048xf32> to vector<8x128xf32>
    %dot_general3A_162 = arith.constant dense<0.000000e+00> : vector<8x128xf32>
    %dot_general3A_163 = tpu.matmul %slice3A_161, %select_n3A_71, %dot_general3A_162 {dimension_numbers = #tpu.dot_dimension_numbers<[1], [0], [0], [1], [0, 0, 1, 1], [], []>, transpose_lhs_hint = false} : vector<8x128xf32>, vector<128x128xf32>, vector<8x128xf32> -> vector<8x128xf32>
    %reduce_sum3A_164 = arith.constant dense<0.000000e+00> : vector<8xf32>
    %reduce_sum3A_165 = vector.multi_reduction <add>, %slice3A_161, %reduce_sum3A_164 [1] : vector<8x128xf32> to vector<8xf32>
    %broadcast_in_dim3A_166 = vector.shape_cast %reduce_sum3A_165 : vector<8xf32> to vector<8x1xf32>
    %concatenate3A = tpu.concatenate %broadcast_in_dim3A_76, %broadcast_in_dim3A_82, %broadcast_in_dim3A_88, %broadcast_in_dim3A_94, %broadcast_in_dim3A_100, %broadcast_in_dim3A_106, %broadcast_in_dim3A_112, %broadcast_in_dim3A_118, %broadcast_in_dim3A_124, %broadcast_in_dim3A_130, %broadcast_in_dim3A_136, %broadcast_in_dim3A_142, %broadcast_in_dim3A_148, %broadcast_in_dim3A_154, %broadcast_in_dim3A_160, %broadcast_in_dim3A_166 in 1 : vector<8x1xf32>, vector<8x1xf32>, vector<8x1xf32>, vector<8x1xf32>, vector<8x1xf32>, vector<8x1xf32>, vector<8x1xf32>, vector<8x1xf32>, vector<8x1xf32>, vector<8x1xf32>, vector<8x1xf32>, vector<8x1xf32>, vector<8x1xf32>, vector<8x1xf32>, vector<8x1xf32>, vector<8x1xf32> -> vector<8x16xf32>
    %iota3A_167 = tpu.iota {dimensions = array<i32: 0>} : vector<16x16xi32>
    %iota3A_168 = tpu.iota {dimensions = array<i32: 1>} : vector<16x16xi32>
    %lt3A_169 = arith.cmpi slt, %iota3A_167, %iota3A_168 : vector<16x16xi32>
    %jit3A_170 = arith.constant 1.000000e+00 : f32
    %jit3A_171 = arith.constant 0.000000e+00 : f32
    %broadcast_in_dim3A_172 = vector.broadcast %jit3A_170 : f32 to vector<16x16xf32>
    %broadcast_in_dim3A_173 = vector.broadcast %jit3A_171 : f32 to vector<16x16xf32>
    %select_n3A_174 = arith.select %lt3A_169, %broadcast_in_dim3A_172, %broadcast_in_dim3A_173 : vector<16x16xi1>, vector<16x16xf32>
    %dot_general3A_175 = arith.constant dense<0.000000e+00> : vector<8x16xf32>
    %dot_general3A_176 = tpu.matmul %concatenate3A, %select_n3A_174, %dot_general3A_175 {dimension_numbers = #tpu.dot_dimension_numbers<[1], [0], [0], [1], [0, 0, 1, 1], [], []>, transpose_lhs_hint = false} : vector<8x16xf32>, vector<16x16xf32>, vector<8x16xf32> -> vector<8x16xf32>
    %slice3A_177 = vector.extract_strided_slice %dot_general3A_176 {offsets = [0, 0], sizes = [8, 1], strides = [1, 1]} : vector<8x16xf32> to vector<8x1xf32>
    %add3A_178 = vector.broadcast %slice3A_177 : vector<8x1xf32> to vector<8x128xf32>
    %add3A_179 = arith.addf %dot_general3A_73, %add3A_178 : vector<8x128xf32>
    %slice3A_180 = vector.extract_strided_slice %dot_general3A_176 {offsets = [0, 1], sizes = [8, 1], strides = [1, 1]} : vector<8x16xf32> to vector<8x1xf32>
    %add3A_181 = vector.broadcast %slice3A_180 : vector<8x1xf32> to vector<8x128xf32>
    %add3A_182 = arith.addf %dot_general3A_79, %add3A_181 : vector<8x128xf32>
    %slice3A_183 = vector.extract_strided_slice %dot_general3A_176 {offsets = [0, 2], sizes = [8, 1], strides = [1, 1]} : vector<8x16xf32> to vector<8x1xf32>
    %add3A_184 = vector.broadcast %slice3A_183 : vector<8x1xf32> to vector<8x128xf32>
    %add3A_185 = arith.addf %dot_general3A_85, %add3A_184 : vector<8x128xf32>
    %slice3A_186 = vector.extract_strided_slice %dot_general3A_176 {offsets = [0, 3], sizes = [8, 1], strides = [1, 1]} : vector<8x16xf32> to vector<8x1xf32>
    %add3A_187 = vector.broadcast %slice3A_186 : vector<8x1xf32> to vector<8x128xf32>
    %add3A_188 = arith.addf %dot_general3A_91, %add3A_187 : vector<8x128xf32>
    %slice3A_189 = vector.extract_strided_slice %dot_general3A_176 {offsets = [0, 4], sizes = [8, 1], strides = [1, 1]} : vector<8x16xf32> to vector<8x1xf32>
    %add3A_190 = vector.broadcast %slice3A_189 : vector<8x1xf32> to vector<8x128xf32>
    %add3A_191 = arith.addf %dot_general3A_97, %add3A_190 : vector<8x128xf32>
    %slice3A_192 = vector.extract_strided_slice %dot_general3A_176 {offsets = [0, 5], sizes = [8, 1], strides = [1, 1]} : vector<8x16xf32> to vector<8x1xf32>
    %add3A_193 = vector.broadcast %slice3A_192 : vector<8x1xf32> to vector<8x128xf32>
    %add3A_194 = arith.addf %dot_general3A_103, %add3A_193 : vector<8x128xf32>
    %slice3A_195 = vector.extract_strided_slice %dot_general3A_176 {offsets = [0, 6], sizes = [8, 1], strides = [1, 1]} : vector<8x16xf32> to vector<8x1xf32>
    %add3A_196 = vector.broadcast %slice3A_195 : vector<8x1xf32> to vector<8x128xf32>
    %add3A_197 = arith.addf %dot_general3A_109, %add3A_196 : vector<8x128xf32>
    %slice3A_198 = vector.extract_strided_slice %dot_general3A_176 {offsets = [0, 7], sizes = [8, 1], strides = [1, 1]} : vector<8x16xf32> to vector<8x1xf32>
    %add3A_199 = vector.broadcast %slice3A_198 : vector<8x1xf32> to vector<8x128xf32>
    %add3A_200 = arith.addf %dot_general3A_115, %add3A_199 : vector<8x128xf32>
    %slice3A_201 = vector.extract_strided_slice %dot_general3A_176 {offsets = [0, 8], sizes = [8, 1], strides = [1, 1]} : vector<8x16xf32> to vector<8x1xf32>
    %add3A_202 = vector.broadcast %slice3A_201 : vector<8x1xf32> to vector<8x128xf32>
    %add3A_203 = arith.addf %dot_general3A_121, %add3A_202 : vector<8x128xf32>
    %slice3A_204 = vector.extract_strided_slice %dot_general3A_176 {offsets = [0, 9], sizes = [8, 1], strides = [1, 1]} : vector<8x16xf32> to vector<8x1xf32>
    %add3A_205 = vector.broadcast %slice3A_204 : vector<8x1xf32> to vector<8x128xf32>
    %add3A_206 = arith.addf %dot_general3A_127, %add3A_205 : vector<8x128xf32>
    %slice3A_207 = vector.extract_strided_slice %dot_general3A_176 {offsets = [0, 10], sizes = [8, 1], strides = [1, 1]} : vector<8x16xf32> to vector<8x1xf32>
    %add3A_208 = vector.broadcast %slice3A_207 : vector<8x1xf32> to vector<8x128xf32>
    %add3A_209 = arith.addf %dot_general3A_133, %add3A_208 : vector<8x128xf32>
    %slice3A_210 = vector.extract_strided_slice %dot_general3A_176 {offsets = [0, 11], sizes = [8, 1], strides = [1, 1]} : vector<8x16xf32> to vector<8x1xf32>
    %add3A_211 = vector.broadcast %slice3A_210 : vector<8x1xf32> to vector<8x128xf32>
    %add3A_212 = arith.addf %dot_general3A_139, %add3A_211 : vector<8x128xf32>
    %slice3A_213 = vector.extract_strided_slice %dot_general3A_176 {offsets = [0, 12], sizes = [8, 1], strides = [1, 1]} : vector<8x16xf32> to vector<8x1xf32>
    %add3A_214 = vector.broadcast %slice3A_213 : vector<8x1xf32> to vector<8x128xf32>
    %add3A_215 = arith.addf %dot_general3A_145, %add3A_214 : vector<8x128xf32>
    %slice3A_216 = vector.extract_strided_slice %dot_general3A_176 {offsets = [0, 13], sizes = [8, 1], strides = [1, 1]} : vector<8x16xf32> to vector<8x1xf32>
    %add3A_217 = vector.broadcast %slice3A_216 : vector<8x1xf32> to vector<8x128xf32>
    %add3A_218 = arith.addf %dot_general3A_151, %add3A_217 : vector<8x128xf32>
    %slice3A_219 = vector.extract_strided_slice %dot_general3A_176 {offsets = [0, 14], sizes = [8, 1], strides = [1, 1]} : vector<8x16xf32> to vector<8x1xf32>
    %add3A_220 = vector.broadcast %slice3A_219 : vector<8x1xf32> to vector<8x128xf32>
    %add3A_221 = arith.addf %dot_general3A_157, %add3A_220 : vector<8x128xf32>
    %slice3A_222 = vector.extract_strided_slice %dot_general3A_176 {offsets = [0, 15], sizes = [8, 1], strides = [1, 1]} : vector<8x16xf32> to vector<8x1xf32>
    %add3A_223 = vector.broadcast %slice3A_222 : vector<8x1xf32> to vector<8x128xf32>
    %add3A_224 = arith.addf %dot_general3A_163, %add3A_223 : vector<8x128xf32>
    %concatenate3A_225 = tpu.concatenate %add3A_179, %add3A_182, %add3A_185, %add3A_188, %add3A_191, %add3A_194, %add3A_197, %add3A_200, %add3A_203, %add3A_206, %add3A_209, %add3A_212, %add3A_215, %add3A_218, %add3A_221, %add3A_224 in 1 : vector<8x128xf32>, vector<8x128xf32>, vector<8x128xf32>, vector<8x128xf32>, vector<8x128xf32>, vector<8x128xf32>, vector<8x128xf32>, vector<8x128xf32>, vector<8x128xf32>, vector<8x128xf32>, vector<8x128xf32>, vector<8x128xf32>, vector<8x128xf32>, vector<8x128xf32>, vector<8x128xf32>, vector<8x128xf32> -> vector<8x2048xf32>
    %add3A_226 = arith.constant 2.550000e+02 : f32
    %add3A_227 = vector.broadcast %add3A_226 : f32 to vector<8x1xf32>
    %add3A_228 = arith.addf %broadcast_in_dim3A_61, %add3A_227 : vector<8x1xf32>
    %div3A = arith.constant 2.560000e+02 : f32
    %div3A_229 = vector.broadcast %div3A : f32 to vector<8x1xf32>
    %div3A_230 = arith.divf %add3A_228, %div3A_229 : vector<8x1xf32>
    %floor3A = math.floor %div3A_230 : vector<8x1xf32>
    %iota3A_231 = tpu.iota {dimensions = array<i32: 0>} : vector<8x8xi32>
    %iota3A_232 = tpu.iota {dimensions = array<i32: 1>} : vector<8x8xi32>
    %le3A = arith.cmpi sle, %iota3A_232, %iota3A_231 : vector<8x8xi32>
    %jit3A_233 = arith.constant 1.000000e+00 : f32
    %jit3A_234 = arith.constant 0.000000e+00 : f32
    %broadcast_in_dim3A_235 = vector.broadcast %jit3A_233 : f32 to vector<8x8xf32>
    %broadcast_in_dim3A_236 = vector.broadcast %jit3A_234 : f32 to vector<8x8xf32>
    %select_n3A_237 = arith.select %le3A, %broadcast_in_dim3A_235, %broadcast_in_dim3A_236 : vector<8x8xi1>, vector<8x8xf32>
    %dot_general3A_238 = arith.constant dense<0.000000e+00> : vector<8x1xf32>
    %dot_general3A_239 = tpu.matmul %select_n3A_237, %floor3A, %dot_general3A_238 {dimension_numbers = #tpu.dot_dimension_numbers<[1], [0], [0], [1], [0, 0, 1, 1], [], []>, transpose_lhs_hint = false} : vector<8x8xf32>, vector<8x1xf32>, vector<8x1xf32> -> vector<8x1xf32>
    %sub3A = arith.subf %dot_general3A_239, %floor3A : vector<8x1xf32>
    %mul3A = arith.constant 2.560000e+02 : f32
    %mul3A_240 = vector.broadcast %mul3A : f32 to vector<8x1xf32>
    %mul3A_241 = arith.mulf %sub3A, %mul3A_240 : vector<8x1xf32>
    %add3A_242 = vector.broadcast %mul3A_241 : vector<8x1xf32> to vector<8x2048xf32>
    %add3A_243 = arith.addf %add3A_242, %concatenate3A_225 : vector<8x2048xf32>
    %eq3A_244 = vector.broadcast %broadcast_in_dim3A_28 : vector<1x2048xi32> to vector<8x2048xi32>
    %eq3A_245 = arith.cmpi eq, %iota3A, %eq3A_244 : vector<8x2048xi32>
    %jit3A_246 = arith.constant 0.000000e+00 : f32
    %broadcast_in_dim3A_247 = vector.broadcast %jit3A_246 : f32 to vector<8x2048xf32>
    %select_n3A_248 = arith.select %eq3A_245, %add3A_243, %broadcast_in_dim3A_247 : vector<8x2048xi1>, vector<8x2048xf32>
    %reduce_sum3A_249 = arith.constant dense<0.000000e+00> : vector<2048xf32>
    %reduce_sum3A_250 = vector.multi_reduction <add>, %select_n3A_248, %reduce_sum3A_249 [0] : vector<8x2048xf32> to vector<2048xf32>
    %broadcast_in_dim3A_251 = vector.shape_cast %reduce_sum3A_250 : vector<2048xf32> to vector<1x2048xf32>
    %eq3A_252 = vector.broadcast %broadcast_in_dim3A_44 : vector<1x2048xi32> to vector<8x2048xi32>
    %eq3A_253 = arith.cmpi eq, %iota3A, %eq3A_252 : vector<8x2048xi32>
    %jit3A_254 = arith.constant 0.000000e+00 : f32
    %broadcast_in_dim3A_255 = vector.broadcast %jit3A_254 : f32 to vector<8x2048xf32>
    %select_n3A_256 = arith.select %eq3A_253, %add3A_243, %broadcast_in_dim3A_255 : vector<8x2048xi1>, vector<8x2048xf32>
    %reduce_sum3A_257 = arith.constant dense<0.000000e+00> : vector<2048xf32>
    %reduce_sum3A_258 = vector.multi_reduction <add>, %select_n3A_256, %reduce_sum3A_257 [0] : vector<8x2048xf32> to vector<2048xf32>
    %broadcast_in_dim3A_259 = vector.shape_cast %reduce_sum3A_258 : vector<2048xf32> to vector<1x2048xf32>
    %concatenate3A_260 = tpu.concatenate %broadcast_in_dim3A_251, %broadcast_in_dim3A_259 in 0 : vector<1x2048xf32>, vector<1x2048xf32> -> vector<2x2048xf32>
    %convert_element_type3A = arith.fptosi %concatenate3A_260 : vector<2x2048xf32> to vector<2x2048xi32>
    %swap3A_261 = arith.constant 0 : index
    %swap3A_262 = arith.constant 0 : index
    %swap3A_263 = vector.load %arg6[%swap3A_261, %swap3A_262] : memref<2x2048xi32, #tpu.memory_space<vmem>>, vector<2x2048xi32>
    tpu.vector_store %arg6[%swap3A_261, %swap3A_262], %convert_element_type3A {strides = array<i32>} : memref<2x2048xi32, #tpu.memory_space<vmem>>, vector<2x2048xi32>,
    %iota3A_264 = tpu.iota {dimensions = array<i32: 1>} : vector<1x24xi32>
    %convert_element_type3A_265 = arith.sitofp %iota3A_264 : vector<1x24xi32> to vector<1x24xf32>
    %broadcast_in_dim3A_266 = arith.constant 0.000000e+00 : f32
    %broadcast_in_dim3A_267 = vector.broadcast %broadcast_in_dim3A_266 : f32 to vector<1x24xf32>
    %slice3A_268 = vector.extract_strided_slice %dot_general3A_239 {offsets = [0, 0], sizes = [1, 1], strides = [1, 1]} : vector<8x1xf32> to vector<1x1xf32>
    %ge3A = vector.broadcast %slice3A_268 : vector<1x1xf32> to vector<1x24xf32>
    %ge3A_269 = arith.cmpf oge, %convert_element_type3A_265, %ge3A : vector<1x24xf32>
    %jit3A_270 = arith.constant 1.000000e+00 : f32
    %jit3A_271 = arith.constant 0.000000e+00 : f32
    %broadcast_in_dim3A_272 = vector.broadcast %jit3A_270 : f32 to vector<1x24xf32>
    %broadcast_in_dim3A_273 = vector.broadcast %jit3A_271 : f32 to vector<1x24xf32>
    %select_n3A_274 = arith.select %ge3A_269, %broadcast_in_dim3A_272, %broadcast_in_dim3A_273 : vector<1x24xi1>, vector<1x24xf32>
    %add3A_275 = arith.addf %broadcast_in_dim3A_267, %select_n3A_274 : vector<1x24xf32>
    %slice3A_276 = vector.extract_strided_slice %dot_general3A_239 {offsets = [1, 0], sizes = [1, 1], strides = [1, 1]} : vector<8x1xf32> to vector<1x1xf32>
    %ge3A_277 = vector.broadcast %slice3A_276 : vector<1x1xf32> to vector<1x24xf32>
    %ge3A_278 = arith.cmpf oge, %convert_element_type3A_265, %ge3A_277 : vector<1x24xf32>
    %jit3A_279 = arith.constant 1.000000e+00 : f32
    %jit3A_280 = arith.constant 0.000000e+00 : f32
    %broadcast_in_dim3A_281 = vector.broadcast %jit3A_279 : f32 to vector<1x24xf32>
    %broadcast_in_dim3A_282 = vector.broadcast %jit3A_280 : f32 to vector<1x24xf32>
    %select_n3A_283 = arith.select %ge3A_278, %broadcast_in_dim3A_281, %broadcast_in_dim3A_282 : vector<1x24xi1>, vector<1x24xf32>
    %add3A_284 = arith.addf %add3A_275, %select_n3A_283 : vector<1x24xf32>
    %slice3A_285 = vector.extract_strided_slice %dot_general3A_239 {offsets = [2, 0], sizes = [1, 1], strides = [1, 1]} : vector<8x1xf32> to vector<1x1xf32>
    %ge3A_286 = vector.broadcast %slice3A_285 : vector<1x1xf32> to vector<1x24xf32>
    %ge3A_287 = arith.cmpf oge, %convert_element_type3A_265, %ge3A_286 : vector<1x24xf32>
    %jit3A_288 = arith.constant 1.000000e+00 : f32
    %jit3A_289 = arith.constant 0.000000e+00 : f32
    %broadcast_in_dim3A_290 = vector.broadcast %jit3A_288 : f32 to vector<1x24xf32>
    %broadcast_in_dim3A_291 = vector.broadcast %jit3A_289 : f32 to vector<1x24xf32>
    %select_n3A_292 = arith.select %ge3A_287, %broadcast_in_dim3A_290, %broadcast_in_dim3A_291 : vector<1x24xi1>, vector<1x24xf32>
    %add3A_293 = arith.addf %add3A_284, %select_n3A_292 : vector<1x24xf32>
    %slice3A_294 = vector.extract_strided_slice %dot_general3A_239 {offsets = [3, 0], sizes = [1, 1], strides = [1, 1]} : vector<8x1xf32> to vector<1x1xf32>
    %ge3A_295 = vector.broadcast %slice3A_294 : vector<1x1xf32> to vector<1x24xf32>
    %ge3A_296 = arith.cmpf oge, %convert_element_type3A_265, %ge3A_295 : vector<1x24xf32>
    %jit3A_297 = arith.constant 1.000000e+00 : f32
    %jit3A_298 = arith.constant 0.000000e+00 : f32
    %broadcast_in_dim3A_299 = vector.broadcast %jit3A_297 : f32 to vector<1x24xf32>
    %broadcast_in_dim3A_300 = vector.broadcast %jit3A_298 : f32 to vector<1x24xf32>
    %select_n3A_301 = arith.select %ge3A_296, %broadcast_in_dim3A_299, %broadcast_in_dim3A_300 : vector<1x24xi1>, vector<1x24xf32>
    %add3A_302 = arith.addf %add3A_293, %select_n3A_301 : vector<1x24xf32>
    %slice3A_303 = vector.extract_strided_slice %dot_general3A_239 {offsets = [4, 0], sizes = [1, 1], strides = [1, 1]} : vector<8x1xf32> to vector<1x1xf32>
    %ge3A_304 = vector.broadcast %slice3A_303 : vector<1x1xf32> to vector<1x24xf32>
    %ge3A_305 = arith.cmpf oge, %convert_element_type3A_265, %ge3A_304 : vector<1x24xf32>
    %jit3A_306 = arith.constant 1.000000e+00 : f32
    %jit3A_307 = arith.constant 0.000000e+00 : f32
    %broadcast_in_dim3A_308 = vector.broadcast %jit3A_306 : f32 to vector<1x24xf32>
    %broadcast_in_dim3A_309 = vector.broadcast %jit3A_307 : f32 to vector<1x24xf32>
    %select_n3A_310 = arith.select %ge3A_305, %broadcast_in_dim3A_308, %broadcast_in_dim3A_309 : vector<1x24xi1>, vector<1x24xf32>
    %add3A_311 = arith.addf %add3A_302, %select_n3A_310 : vector<1x24xf32>
    %slice3A_312 = vector.extract_strided_slice %dot_general3A_239 {offsets = [5, 0], sizes = [1, 1], strides = [1, 1]} : vector<8x1xf32> to vector<1x1xf32>
    %ge3A_313 = vector.broadcast %slice3A_312 : vector<1x1xf32> to vector<1x24xf32>
    %ge3A_314 = arith.cmpf oge, %convert_element_type3A_265, %ge3A_313 : vector<1x24xf32>
    %jit3A_315 = arith.constant 1.000000e+00 : f32
    %jit3A_316 = arith.constant 0.000000e+00 : f32
    %broadcast_in_dim3A_317 = vector.broadcast %jit3A_315 : f32 to vector<1x24xf32>
    %broadcast_in_dim3A_318 = vector.broadcast %jit3A_316 : f32 to vector<1x24xf32>
    %select_n3A_319 = arith.select %ge3A_314, %broadcast_in_dim3A_317, %broadcast_in_dim3A_318 : vector<1x24xi1>, vector<1x24xf32>
    %add3A_320 = arith.addf %add3A_311, %select_n3A_319 : vector<1x24xf32>
    %slice3A_321 = vector.extract_strided_slice %dot_general3A_239 {offsets = [6, 0], sizes = [1, 1], strides = [1, 1]} : vector<8x1xf32> to vector<1x1xf32>
    %ge3A_322 = vector.broadcast %slice3A_321 : vector<1x1xf32> to vector<1x24xf32>
    %ge3A_323 = arith.cmpf oge, %convert_element_type3A_265, %ge3A_322 : vector<1x24xf32>
    %jit3A_324 = arith.constant 1.000000e+00 : f32
    %jit3A_325 = arith.constant 0.000000e+00 : f32
    %broadcast_in_dim3A_326 = vector.broadcast %jit3A_324 : f32 to vector<1x24xf32>
    %broadcast_in_dim3A_327 = vector.broadcast %jit3A_325 : f32 to vector<1x24xf32>
    %select_n3A_328 = arith.select %ge3A_323, %broadcast_in_dim3A_326, %broadcast_in_dim3A_327 : vector<1x24xi1>, vector<1x24xf32>
    %add3A_329 = arith.addf %add3A_320, %select_n3A_328 : vector<1x24xf32>
    %slice3A_330 = vector.extract_strided_slice %dot_general3A_239 {offsets = [7, 0], sizes = [1, 1], strides = [1, 1]} : vector<8x1xf32> to vector<1x1xf32>
    %ge3A_331 = vector.broadcast %slice3A_330 : vector<1x1xf32> to vector<1x24xf32>
    %ge3A_332 = arith.cmpf oge, %convert_element_type3A_265, %ge3A_331 : vector<1x24xf32>
    %jit3A_333 = arith.constant 1.000000e+00 : f32
    %jit3A_334 = arith.constant 0.000000e+00 : f32
    %broadcast_in_dim3A_335 = vector.broadcast %jit3A_333 : f32 to vector<1x24xf32>
    %broadcast_in_dim3A_336 = vector.broadcast %jit3A_334 : f32 to vector<1x24xf32>
    %select_n3A_337 = arith.select %ge3A_332, %broadcast_in_dim3A_335, %broadcast_in_dim3A_336 : vector<1x24xi1>, vector<1x24xf32>
    %add3A_338 = arith.addf %add3A_329, %select_n3A_337 : vector<1x24xf32>
    %min3A = arith.constant 7.000000e+00 : f32
    %min3A_339 = vector.broadcast %min3A : f32 to vector<1x24xf32>
    %min3A_340 = arith.minimumf %add3A_338, %min3A_339 : vector<1x24xf32>
    %convert_element_type3A_341 = arith.fptosi %min3A_340 : vector<1x24xf32> to vector<1x24xi32>
    %swap3A_342 = arith.constant 0 : index
    %swap3A_343 = arith.constant 0 : index
    %swap3A_344 = vector.load %arg7[%swap3A_342, %swap3A_343] : memref<1x24xi32, #tpu.memory_space<vmem>>, vector<1x24xi32>
    tpu.vector_store %arg7[%swap3A_342, %swap3A_343], %convert_element_type3A_341 {strides = array<i32>} : memref<1x24xi32, #tpu.memory_space<vmem>>, vector<1x24xi32>,
    %reduce_sum3A_345 = vector.shape_cast %floor3A : vector<8x1xf32> to vector<1x8x1xf32>
    %reduce_sum3A_346 = arith.constant dense<0.000000e+00> : vector<1xf32>
    %reduce_sum3A_347 = vector.multi_reduction <add>, %reduce_sum3A_345, %reduce_sum3A_346 [1, 2] : vector<1x8x1xf32> to vector<1xf32>
    %reduce_sum3A_348 = vector.shape_cast %reduce_sum3A_347 : vector<1xf32> to vector<1x1x1xf32>
    %reduce_sum3A_349 = vector.extract %reduce_sum3A_348[0, 0, 0] : f32 from vector<1x1x1xf32>
    %broadcast_in_dim3A_350 = vector.broadcast %reduce_sum3A_349 : f32 to vector<1x1xf32>
    %convert_element_type3A_351 = arith.fptosi %broadcast_in_dim3A_350 : vector<1x1xf32> to vector<1x1xi32>
    %swap3A_352 = arith.constant 0 : index
    %swap3A_353 = arith.constant 0 : index
    %swap3A_354 = vector.load %arg8[%swap3A_352, %swap3A_353] : memref<1x1xi32, #tpu.memory_space<vmem>>, vector<1x1xi32>
    tpu.vector_store %arg8[%swap3A_352, %swap3A_353], %convert_element_type3A_351 {strides = array<i32>} : memref<1x1xi32, #tpu.memory_space<vmem>>, vector<1x1xi32>,
    return
  }
}

module attributes {stable_mosaic.version = 14 : i64} {
  func.func @_gemm_kernel(%arg0: i32, %arg1: memref<24xi32, #tpu.memory_space<smem>>, %arg2: memref<1xi32, #tpu.memory_space<smem>>, %arg3: memref<256x768xf32, #tpu.memory_space<vmem>>, %arg4: memref<1x768x1536xf32, #tpu.memory_space<vmem>>, %arg5: memref<1x1x1536xf32, #tpu.memory_space<vmem>>, %arg6: memref<1x1536x768xf32, #tpu.memory_space<vmem>>, %arg7: memref<1x1x768xf32, #tpu.memory_space<vmem>>, %arg8: memref<256x768xf32, #tpu.memory_space<vmem>>) attributes {dimension_semantics = [#tpu.dimension_semantics<parallel>], iteration_bounds = array<i64: 24>, scalar_prefetch = 2 : i64, scratch_operands = 0 : i64, tpu.core_type = #tpu.core_type<tc>, window_params = [{transform_indices = @transform_0, window_bounds = array<i64: 256, 768>}, {transform_indices = @transform_1, window_bounds = array<i64: 1, 768, 1536>}, {transform_indices = @transform_2, window_bounds = array<i64: 1, 1, 1536>}, {transform_indices = @transform_3, window_bounds = array<i64: 1, 1536, 768>}, {transform_indices = @transform_4, window_bounds = array<i64: 1, 1, 768>}, {transform_indices = @transform_5, window_bounds = array<i64: 256, 768>}]} {
    %get3A = arith.constant 0 : index
    %get3A_0 = memref.load %arg2[%get3A] : memref<1xi32, #tpu.memory_space<smem>>
    %lt3A = arith.cmpi slt, %arg0, %get3A_0 : i32
    %convert_element_type3A = arith.extui %lt3A : i1 to i32
    %cond3A = arith.constant 0 : i32
    %cond3A_1 = arith.cmpi ne, %convert_element_type3A, %cond3A : i32
    scf.if %cond3A_1 {
      %get3A_2 = arith.constant 0 : index
      %get3A_3 = arith.constant 0 : index
      %get3A_4 = vector.load %arg3[%get3A_2, %get3A_3] : memref<256x768xf32, #tpu.memory_space<vmem>>, vector<256x768xf32>
      %get3A_5 = arith.constant 0 : index
      %get3A_6 = arith.constant 0 : index
      %get3A_7 = arith.constant 0 : index
      %get3A_8 = vector.load %arg4[%get3A_5, %get3A_6, %get3A_7] : memref<1x768x1536xf32, #tpu.memory_space<vmem>>, vector<1x768x1536xf32>
      %get3A_9 = vector.shape_cast %get3A_8 : vector<1x768x1536xf32> to vector<768x1536xf32>
      %dot_general3A = arith.constant dense<0.000000e+00> : vector<256x1536xf32>
      %dot_general3A_10 = tpu.matmul %get3A_4, %get3A_9, %dot_general3A {dimension_numbers = #tpu.dot_dimension_numbers<[1], [0], [0], [1], [0, 0, 1, 1], [], []>, transpose_lhs_hint = false} : vector<256x768xf32>, vector<768x1536xf32>, vector<256x1536xf32> -> vector<256x1536xf32>
      %get3A_11 = arith.constant 0 : index
      %get3A_12 = arith.constant 0 : index
      %get3A_13 = arith.constant 0 : index
      %get3A_14 = vector.load %arg5[%get3A_11, %get3A_12, %get3A_13] : memref<1x1x1536xf32, #tpu.memory_space<vmem>>, vector<1x1x1536xf32>
      %get3A_15 = vector.shape_cast %get3A_14 : vector<1x1x1536xf32> to vector<1x1536xf32>
      %add3A = vector.broadcast %get3A_15 : vector<1x1536xf32> to vector<256x1536xf32>
      %add3A_16 = arith.addf %dot_general3A_10, %add3A : vector<256x1536xf32>
      %max3A = arith.constant 0.000000e+00 : f32
      %max3A_17 = vector.broadcast %max3A : f32 to vector<256x1536xf32>
      %max3A_18 = arith.maximumf %add3A_16, %max3A_17 : vector<256x1536xf32>
      %get3A_19 = arith.constant 0 : index
      %get3A_20 = arith.constant 0 : index
      %get3A_21 = arith.constant 0 : index
      %get3A_22 = vector.load %arg6[%get3A_19, %get3A_20, %get3A_21] : memref<1x1536x768xf32, #tpu.memory_space<vmem>>, vector<1x1536x768xf32>
      %get3A_23 = vector.shape_cast %get3A_22 : vector<1x1536x768xf32> to vector<1536x768xf32>
      %dot_general3A_24 = arith.constant dense<0.000000e+00> : vector<256x768xf32>
      %dot_general3A_25 = tpu.matmul %max3A_18, %get3A_23, %dot_general3A_24 {dimension_numbers = #tpu.dot_dimension_numbers<[1], [0], [0], [1], [0, 0, 1, 1], [], []>, transpose_lhs_hint = false} : vector<256x1536xf32>, vector<1536x768xf32>, vector<256x768xf32> -> vector<256x768xf32>
      %get3A_26 = arith.constant 0 : index
      %get3A_27 = arith.constant 0 : index
      %get3A_28 = arith.constant 0 : index
      %get3A_29 = vector.load %arg7[%get3A_26, %get3A_27, %get3A_28] : memref<1x1x768xf32, #tpu.memory_space<vmem>>, vector<1x1x768xf32>
      %get3A_30 = vector.shape_cast %get3A_29 : vector<1x1x768xf32> to vector<1x768xf32>
      %add3A_31 = vector.broadcast %get3A_30 : vector<1x768xf32> to vector<256x768xf32>
      %add3A_32 = arith.addf %dot_general3A_25, %add3A_31 : vector<256x768xf32>
      %swap3A = arith.constant 0 : index
      %swap3A_33 = arith.constant 0 : index
      %swap3A_34 = vector.load %arg8[%swap3A, %swap3A_33] : memref<256x768xf32, #tpu.memory_space<vmem>>, vector<256x768xf32>
      tpu.vector_store %arg8[%swap3A, %swap3A_33], %add3A_32 {strides = array<i32>} : memref<256x768xf32, #tpu.memory_space<vmem>>, vector<256x768xf32>,
    } else {
    }
    return
  }
  func.func @transform_0(%arg0: i32, %arg1: memref<24xi32, #tpu.memory_space<smem>>, %arg2: memref<1xi32, #tpu.memory_space<smem>>) -> (i32, i32) {
    %get3A = arith.constant 0 : index
    %get3A_0 = memref.load %arg2[%get3A] : memref<1xi32, #tpu.memory_space<smem>>
    %sub3A = arith.constant 1 : i32
    %sub3A_1 = arith.subi %get3A_0, %sub3A : i32
    %min3A = arith.minsi %arg0, %sub3A_1 : i32
    %c0_i32 = arith.constant 0 : i32
    %c0_i32_2 = arith.constant 0 : i32
    return %min3A, %c0_i32 : i32, i32
  }
  func.func @transform_1(%arg0: i32, %arg1: memref<24xi32, #tpu.memory_space<smem>>, %arg2: memref<1xi32, #tpu.memory_space<smem>>) -> (i32, i32, i32) {
    %get3A = arith.constant 0 : index
    %get3A_0 = memref.load %arg2[%get3A] : memref<1xi32, #tpu.memory_space<smem>>
    %sub3A = arith.constant 1 : i32
    %sub3A_1 = arith.subi %get3A_0, %sub3A : i32
    %min3A = arith.minsi %arg0, %sub3A_1 : i32
    %get3A_2 = arith.index_cast %min3A : i32 to index
    %get3A_3 = memref.load %arg1[%get3A_2] : memref<24xi32, #tpu.memory_space<smem>>
    %c0_i32 = arith.constant 0 : i32
    %c0_i32_4 = arith.constant 0 : i32
    %c0_i32_5 = arith.constant 0 : i32
    return %get3A_3, %c0_i32, %c0_i32_4 : i32, i32, i32
  }
  func.func @transform_2(%arg0: i32, %arg1: memref<24xi32, #tpu.memory_space<smem>>, %arg2: memref<1xi32, #tpu.memory_space<smem>>) -> (i32, i32, i32) {
    %get3A = arith.constant 0 : index
    %get3A_0 = memref.load %arg2[%get3A] : memref<1xi32, #tpu.memory_space<smem>>
    %sub3A = arith.constant 1 : i32
    %sub3A_1 = arith.subi %get3A_0, %sub3A : i32
    %min3A = arith.minsi %arg0, %sub3A_1 : i32
    %get3A_2 = arith.index_cast %min3A : i32 to index
    %get3A_3 = memref.load %arg1[%get3A_2] : memref<24xi32, #tpu.memory_space<smem>>
    %c0_i32 = arith.constant 0 : i32
    %c0_i32_4 = arith.constant 0 : i32
    %c0_i32_5 = arith.constant 0 : i32
    return %get3A_3, %c0_i32, %c0_i32_4 : i32, i32, i32
  }
  func.func @transform_3(%arg0: i32, %arg1: memref<24xi32, #tpu.memory_space<smem>>, %arg2: memref<1xi32, #tpu.memory_space<smem>>) -> (i32, i32, i32) {
    %get3A = arith.constant 0 : index
    %get3A_0 = memref.load %arg2[%get3A] : memref<1xi32, #tpu.memory_space<smem>>
    %sub3A = arith.constant 1 : i32
    %sub3A_1 = arith.subi %get3A_0, %sub3A : i32
    %min3A = arith.minsi %arg0, %sub3A_1 : i32
    %get3A_2 = arith.index_cast %min3A : i32 to index
    %get3A_3 = memref.load %arg1[%get3A_2] : memref<24xi32, #tpu.memory_space<smem>>
    %c0_i32 = arith.constant 0 : i32
    %c0_i32_4 = arith.constant 0 : i32
    %c0_i32_5 = arith.constant 0 : i32
    return %get3A_3, %c0_i32, %c0_i32_4 : i32, i32, i32
  }
  func.func @transform_4(%arg0: i32, %arg1: memref<24xi32, #tpu.memory_space<smem>>, %arg2: memref<1xi32, #tpu.memory_space<smem>>) -> (i32, i32, i32) {
    %get3A = arith.constant 0 : index
    %get3A_0 = memref.load %arg2[%get3A] : memref<1xi32, #tpu.memory_space<smem>>
    %sub3A = arith.constant 1 : i32
    %sub3A_1 = arith.subi %get3A_0, %sub3A : i32
    %min3A = arith.minsi %arg0, %sub3A_1 : i32
    %get3A_2 = arith.index_cast %min3A : i32 to index
    %get3A_3 = memref.load %arg1[%get3A_2] : memref<24xi32, #tpu.memory_space<smem>>
    %c0_i32 = arith.constant 0 : i32
    %c0_i32_4 = arith.constant 0 : i32
    %c0_i32_5 = arith.constant 0 : i32
    return %get3A_3, %c0_i32, %c0_i32_4 : i32, i32, i32
  }
  func.func @transform_5(%arg0: i32, %arg1: memref<24xi32, #tpu.memory_space<smem>>, %arg2: memref<1xi32, #tpu.memory_space<smem>>) -> (i32, i32) {
    %get3A = arith.constant 0 : index
    %get3A_0 = memref.load %arg2[%get3A] : memref<1xi32, #tpu.memory_space<smem>>
    %lt3A = arith.cmpi slt, %arg0, %get3A_0 : i32
    %jit3A = arith.constant 23 : i32
    %select_n3A = arith.select %lt3A, %arg0, %jit3A : i32
    %c0_i32 = arith.constant 0 : i32
    %c0_i32_1 = arith.constant 0 : i32
    return %select_n3A, %c0_i32 : i32, i32
  }
}

module attributes {stable_mosaic.version = 14 : i64} {
  func.func @_aux_kernel(%arg0: memref<2048x8xf32, #tpu.memory_space<vmem>>, %arg1: memref<8x1xf32, #tpu.memory_space<vmem>>, %arg2: memref<2x2048xf32, #tpu.memory_space<vmem>>, %arg3: memref<1x1xf32, #tpu.memory_space<vmem>>) attributes {dimension_semantics = [], scalar_prefetch = 0 : i64, scratch_operands = 0 : i64, tpu.core_type = #tpu.core_type<tc>} {
    %get3A = arith.constant 0 : index
    %get3A_0 = arith.constant 0 : index
    %get3A_1 = vector.load %arg0[%get3A, %get3A_0] : memref<2048x8xf32, #tpu.memory_space<vmem>>, vector<2048x8xf32>
    %transpose3A = tpu.transpose %get3A_1, [1, 0] : vector<2048x8xf32> -> vector<8x2048xf32>
    %reduce_max3A = arith.constant dense<0xFF800000> : vector<2048xf32>
    %reduce_max3A_2 = vector.multi_reduction <maximumf>, %transpose3A, %reduce_max3A [0] : vector<8x2048xf32> to vector<2048xf32>
    %broadcast_in_dim3A = vector.shape_cast %reduce_max3A_2 : vector<2048xf32> to vector<1x2048xf32>
    %sub3A = vector.broadcast %broadcast_in_dim3A : vector<1x2048xf32> to vector<8x2048xf32>
    %sub3A_3 = arith.subf %transpose3A, %sub3A : vector<8x2048xf32>
    %exp3A = math.exp %sub3A_3 : vector<8x2048xf32>
    %reduce_sum3A = arith.constant dense<0.000000e+00> : vector<2048xf32>
    %reduce_sum3A_4 = vector.multi_reduction <add>, %exp3A, %reduce_sum3A [0] : vector<8x2048xf32> to vector<2048xf32>
    %broadcast_in_dim3A_5 = vector.shape_cast %reduce_sum3A_4 : vector<2048xf32> to vector<1x2048xf32>
    %div3A = vector.broadcast %broadcast_in_dim3A_5 : vector<1x2048xf32> to vector<8x2048xf32>
    %div3A_6 = arith.divf %exp3A, %div3A : vector<8x2048xf32>
    %iota3A = tpu.iota {dimensions = array<i32: 0>} : vector<8x2048xi32>
    %reduce_max3A_7 = arith.constant dense<0xFF800000> : vector<2048xf32>
    %reduce_max3A_8 = vector.multi_reduction <maximumf>, %div3A_6, %reduce_max3A_7 [0] : vector<8x2048xf32> to vector<2048xf32>
    %broadcast_in_dim3A_9 = vector.shape_cast %reduce_max3A_8 : vector<2048xf32> to vector<1x2048xf32>
    %eq3A = vector.broadcast %broadcast_in_dim3A_9 : vector<1x2048xf32> to vector<8x2048xf32>
    %eq3A_10 = arith.cmpf oeq, %div3A_6, %eq3A : vector<8x2048xf32>
    %jit3A = arith.constant 8 : i32
    %broadcast_in_dim3A_11 = vector.broadcast %jit3A : i32 to vector<8x2048xi32>
    %select_n3A = arith.select %eq3A_10, %iota3A, %broadcast_in_dim3A_11 : vector<8x2048xi1>, vector<8x2048xi32>
    %reduce_min3A = arith.constant dense<2147483647> : vector<2048xi32>
    %reduce_min3A_12 = vector.multi_reduction <minsi>, %select_n3A, %reduce_min3A [0] : vector<8x2048xi32> to vector<2048xi32>
    %broadcast_in_dim3A_13 = vector.shape_cast %reduce_min3A_12 : vector<2048xi32> to vector<1x2048xi32>
    %eq3A_14 = vector.broadcast %broadcast_in_dim3A_13 : vector<1x2048xi32> to vector<8x2048xi32>
    %eq3A_15 = arith.cmpi eq, %iota3A, %eq3A_14 : vector<8x2048xi32>
    %jit3A_16 = arith.constant -1.000000e+00 : f32
    %broadcast_in_dim3A_17 = vector.broadcast %jit3A_16 : f32 to vector<8x2048xf32>
    %select_n3A_18 = arith.select %eq3A_15, %broadcast_in_dim3A_17, %div3A_6 : vector<8x2048xi1>, vector<8x2048xf32>
    %reduce_max3A_19 = arith.constant dense<0xFF800000> : vector<2048xf32>
    %reduce_max3A_20 = vector.multi_reduction <maximumf>, %select_n3A_18, %reduce_max3A_19 [0] : vector<8x2048xf32> to vector<2048xf32>
    %broadcast_in_dim3A_21 = vector.shape_cast %reduce_max3A_20 : vector<2048xf32> to vector<1x2048xf32>
    %add3A = arith.addf %broadcast_in_dim3A_9, %broadcast_in_dim3A_21 : vector<1x2048xf32>
    %add3A_22 = arith.constant 9.99999971E-10 : f32
    %add3A_23 = vector.broadcast %add3A_22 : f32 to vector<1x2048xf32>
    %add3A_24 = arith.addf %add3A, %add3A_23 : vector<1x2048xf32>
    %div3A_25 = arith.divf %broadcast_in_dim3A_9, %add3A_24 : vector<1x2048xf32>
    %div3A_26 = arith.divf %broadcast_in_dim3A_21, %add3A_24 : vector<1x2048xf32>
    %concatenate3A = tpu.concatenate %div3A_25, %div3A_26 in 0 : vector<1x2048xf32>, vector<1x2048xf32> -> vector<2x2048xf32>
    %swap3A = arith.constant 0 : index
    %swap3A_27 = arith.constant 0 : index
    %swap3A_28 = vector.load %arg2[%swap3A, %swap3A_27] : memref<2x2048xf32, #tpu.memory_space<vmem>>, vector<2x2048xf32>
    tpu.vector_store %arg2[%swap3A, %swap3A_27], %concatenate3A {strides = array<i32>} : memref<2x2048xf32, #tpu.memory_space<vmem>>, vector<2x2048xf32>,
    %get3A_29 = arith.constant 0 : index
    %get3A_30 = arith.constant 0 : index
    %get3A_31 = vector.load %arg1[%get3A_29, %get3A_30] : memref<8x1xf32, #tpu.memory_space<vmem>>, vector<8x1xf32>
    %div3A_32 = arith.constant 2.048000e+03 : f32
    %div3A_33 = vector.broadcast %div3A_32 : f32 to vector<8x1xf32>
    %div3A_34 = arith.divf %get3A_31, %div3A_33 : vector<8x1xf32>
    %reduce_sum3A_35 = vector.shape_cast %div3A_34 : vector<8x1xf32> to vector<1x8x1xf32>
    %reduce_sum3A_36 = arith.constant dense<0.000000e+00> : vector<1xf32>
    %reduce_sum3A_37 = vector.multi_reduction <add>, %reduce_sum3A_35, %reduce_sum3A_36 [1, 2] : vector<1x8x1xf32> to vector<1xf32>
    %reduce_sum3A_38 = vector.shape_cast %reduce_sum3A_37 : vector<1xf32> to vector<1x1x1xf32>
    %reduce_sum3A_39 = vector.extract %reduce_sum3A_38[0, 0, 0] : f32 from vector<1x1x1xf32>
    %div3A_40 = arith.constant 8.000000e+00 : f32
    %div3A_41 = arith.divf %reduce_sum3A_39, %div3A_40 : f32
    %sub3A_42 = vector.broadcast %div3A_41 : f32 to vector<8x1xf32>
    %sub3A_43 = arith.subf %div3A_34, %sub3A_42 : vector<8x1xf32>
    %integer_pow3A = arith.mulf %sub3A_43, %sub3A_43 : vector<8x1xf32>
    %reduce_sum3A_44 = vector.shape_cast %integer_pow3A : vector<8x1xf32> to vector<1x8x1xf32>
    %reduce_sum3A_45 = arith.constant dense<0.000000e+00> : vector<1xf32>
    %reduce_sum3A_46 = vector.multi_reduction <add>, %reduce_sum3A_44, %reduce_sum3A_45 [1, 2] : vector<1x8x1xf32> to vector<1xf32>
    %reduce_sum3A_47 = vector.shape_cast %reduce_sum3A_46 : vector<1xf32> to vector<1x1x1xf32>
    %reduce_sum3A_48 = vector.extract %reduce_sum3A_47[0, 0, 0] : f32 from vector<1x1x1xf32>
    %div3A_49 = arith.constant 7.000000e+00 : f32
    %div3A_50 = arith.divf %reduce_sum3A_48, %div3A_49 : f32
    %add3A_51 = arith.constant 9.99999971E-10 : f32
    %add3A_52 = vector.broadcast %add3A_51 : f32 to vector<8x2048xf32>
    %add3A_53 = arith.addf %div3A_6, %add3A_52 : vector<8x2048xf32>
    %log3A = math.log %add3A_53 : vector<8x2048xf32>
    %mul3A = arith.mulf %div3A_6, %log3A : vector<8x2048xf32>
    %reduce_sum3A_54 = vector.shape_cast %mul3A : vector<8x2048xf32> to vector<1x8x2048xf32>
    %reduce_sum3A_55 = arith.constant dense<0.000000e+00> : vector<1xf32>
    %reduce_sum3A_56 = vector.multi_reduction <add>, %reduce_sum3A_54, %reduce_sum3A_55 [1, 2] : vector<1x8x2048xf32> to vector<1xf32>
    %reduce_sum3A_57 = vector.shape_cast %reduce_sum3A_56 : vector<1xf32> to vector<1x1x1xf32>
    %reduce_sum3A_58 = vector.extract %reduce_sum3A_57[0, 0, 0] : f32 from vector<1x1x1xf32>
    %neg3A = arith.constant 0.000000e+00 : f32
    %neg3A_59 = arith.subf %neg3A, %reduce_sum3A_58 : f32
    %div3A_60 = arith.constant 2.048000e+03 : f32
    %div3A_61 = arith.divf %neg3A_59, %div3A_60 : f32
    %add3A_62 = arith.addf %div3A_50, %div3A_61 : f32
    %reshape3A = vector.broadcast %add3A_62 : f32 to vector<1x1xf32>
    %swap3A_63 = arith.constant 0 : index
    %swap3A_64 = arith.constant 0 : index
    %swap3A_65 = vector.load %arg3[%swap3A_63, %swap3A_64] : memref<1x1xf32, #tpu.memory_space<vmem>>, vector<1x1xf32>
    tpu.vector_store %arg3[%swap3A_63, %swap3A_64], %reshape3A {strides = array<i32>} : memref<1x1xf32, #tpu.memory_space<vmem>>, vector<1x1xf32>,
    return
  }
}

module attributes {stable_mosaic.version = 14 : i64} {
  func.func @_combine_kernel(%arg0: i32, %arg1: memref<2x512x768xf32, #tpu.memory_space<vmem>>, %arg2: memref<512x2xf32, #tpu.memory_space<vmem>>, %arg3: memref<512x768xf32, #tpu.memory_space<vmem>>) attributes {dimension_semantics = [#tpu.dimension_semantics<parallel>], iteration_bounds = array<i64: 4>, scalar_prefetch = 0 : i64, scratch_operands = 0 : i64, tpu.core_type = #tpu.core_type<tc>, window_params = [{transform_indices = @transform_0, window_bounds = array<i64: 2, 512, 768>}, {transform_indices = @transform_1, window_bounds = array<i64: 512, 2>}, {transform_indices = @transform_2, window_bounds = array<i64: 512, 768>}]} {
    %get3A = arith.constant 0 : index
    %get3A_0 = arith.constant 0 : index
    %get3A_1 = arith.constant 0 : index
    %get3A_2 = vector.load %arg1[%get3A, %get3A_0, %get3A_1] : memref<2x512x768xf32, #tpu.memory_space<vmem>>, vector<1x512x768xf32>
    %get3A_3 = vector.shape_cast %get3A_2 : vector<1x512x768xf32> to vector<512x768xf32>
    %get3A_4 = arith.constant 0 : index
    %get3A_5 = arith.constant 0 : index
    %get3A_6 = vector.load %arg2[%get3A_4, %get3A_5] : memref<512x2xf32, #tpu.memory_space<vmem>>, vector<512x1xf32>
    %mul3A = vector.broadcast %get3A_6 : vector<512x1xf32> to vector<512x768xf32>
    %mul3A_7 = arith.mulf %get3A_3, %mul3A : vector<512x768xf32>
    %get3A_8 = arith.constant 1 : index
    %get3A_9 = arith.constant 0 : index
    %get3A_10 = arith.constant 0 : index
    %get3A_11 = vector.load %arg1[%get3A_8, %get3A_9, %get3A_10] : memref<2x512x768xf32, #tpu.memory_space<vmem>>, vector<1x512x768xf32>
    %get3A_12 = vector.shape_cast %get3A_11 : vector<1x512x768xf32> to vector<512x768xf32>
    %get3A_13 = arith.constant 0 : index
    %get3A_14 = arith.constant 1 : index
    %get3A_15 = vector.load %arg2[%get3A_13, %get3A_14] : memref<512x2xf32, #tpu.memory_space<vmem>>, vector<512x1xf32>
    %mul3A_16 = vector.broadcast %get3A_15 : vector<512x1xf32> to vector<512x768xf32>
    %mul3A_17 = arith.mulf %get3A_12, %mul3A_16 : vector<512x768xf32>
    %add3A = arith.addf %mul3A_7, %mul3A_17 : vector<512x768xf32>
    %swap3A = arith.constant 0 : index
    %swap3A_18 = arith.constant 0 : index
    %swap3A_19 = vector.load %arg3[%swap3A, %swap3A_18] : memref<512x768xf32, #tpu.memory_space<vmem>>, vector<512x768xf32>
    tpu.vector_store %arg3[%swap3A, %swap3A_18], %add3A {strides = array<i32>} : memref<512x768xf32, #tpu.memory_space<vmem>>, vector<512x768xf32>,
    return
  }
  func.func @transform_0(%arg0: i32) -> (i32, i32, i32) {
    %c0_i32 = arith.constant 0 : i32
    %c0_i32_0 = arith.constant 0 : i32
    %c0_i32_1 = arith.constant 0 : i32
    return %c0_i32, %arg0, %c0_i32_0 : i32, i32, i32
  }
  func.func @transform_1(%arg0: i32) -> (i32, i32) {
    %c0_i32 = arith.constant 0 : i32
    %c0_i32_0 = arith.constant 0 : i32
    return %arg0, %c0_i32 : i32, i32
  }
  func.func @transform_2(%arg0: i32) -> (i32, i32) {
    %c0_i32 = arith.constant 0 : i32
    %c0_i32_0 = arith.constant 0 : i32
    return %arg0, %c0_i32 : i32, i32
  }
}

</mosaic_0001>

<sc_bundles>
// kernel: kernel.11.cloned.1.call-start
scs
__scs_entry_jumppad:
0x0: {  	(pc) =	sbr.rel $0x88, $3  }
0x1: {  	(tag) =	ssettag $0x0;
	lr =	simm.s32 $0x1  }
0x2: {  	[smem:$0x3F98] =	sst lr;
	_ =	strace $0xD0000000  }
0x3: {  	_ = 	snop  }
0x4: {  	_ = 	snop  }
0x5: {  	_ = 	snop  }
0x6: {  	_ = 	snop  }
0x7: {  	_ = 	snop  }
__scs_overlays_trampoline_lowered:
0x8: {  	[smem:$0x3FA7] =	sst s0  }
0x9: {  	[smem:$0x3FA8] =	sst s1  }
0xa: {  	[smem:$0x3FA9] =	sst s2  }
0xb: {  	[smem:$0x3FAA] =	sst s3  }
0xc: {  	[smem:$0x3FAB] =	sst s4  }
0xd: {  	[smem:$0x3FAC] =	sst s5  }
0xe: {  	[smem:$0x3FAD] =	sst s6  }
0xf: {  	[smem:$0x3FAE] =	sst s7  }
0x10: {  	[smem:$0x3FAF] =	sst s8  }
0x11: {  	[smem:$0x3FB0] =	sst s9;
	s0 =	simm.s32 @!p0 $0x0  }
0x12: {  	s1 =	sld [smem:$0x3F96];
	s0 =	simm.s32 @p0 $0x1  }
0x13: {  	[smem:$0x3FB1] =	sst s0;
	s0 =	simm.s32 @!p1 $0x0  }
0x14: {  	s2 =	sld [smem:$0x3F95];
	s0 =	simm.s32 @p1 $0x1  }
0x15: {  	[smem:$0x3FB2] =	sst s0;
	s0 =	simm.s32 @!p2 $0x0  }
0x16: {  	s3 =	sld [smem:$0x3FDB];
	s0 =	simm.s32 @p2 $0x1  }
0x17: {  	s4 =	simm.s32 $0x1BF5;
	[smem:$0x3FB4] =	sst s0  }
0x18: {  	s0 =	sld [smem:$0x3F97];
	_ =	swait.ge [sflag:s4], $0x0  }
0x19: {  	s7 =	sld [smem:$0x3F98]  }
0x1a: {  	s8 =	sadd.s32 $0xFFFFE003, lr  }
0x1b: {  	s9 =	sadd.s32 $0xFFFFFEF7, lr;
	s5 =	simm.s32 $0xFFFFFFFF;
	p2 =	slt.u32 s8, $0xFFFFF086  }
0x1c: {  	p1 =	slt.u32 s9, $0xF7A;
	s5 =	simm.s32 @!p2 $0x0  }
0x1d: {  	s5 =	simm.s32 @p1 $0x1;
	p0 =	seq.s32 s7, s2  }
0x1e: {  	s7 =	smul.u32 @!p0 $0xF7A, s2;
	p2 =	seq.s32 @!p0 s5, $0x0  }
0x1f: {  	s9 =	smul.u32 $0xF7A, s1;
	s8 =	simm.s32 @!p0 $0x1BF5;
	p2 =	por !p2, p0  }
0x20: {  	[sflag:s8] =	ssyncset.s32 @!p0 $0xFFFFF086;
	s6 =	sadd.s32 @!p0 s3, s7;
	s7 =	simm.s32 @!p0 $0x108  }
0x21: {  	s3 =	sadd.s32 s3, s9;
	s6 =	sadd.s32 @!p0 $0x88, s6;
	s7 =	simm.s32 @p2 $0x1082  }
0x22: {  	[simem:s7], [sflag:s8] =	dma.local @!p0 [hbm:s6], $0xF7A  }
0x23: {  	s9 =	sor.u32 $0xD0000000, s2;
	s6 =	simm.s32 $0x108;
	_ =	swait.ge @!p0 [sflag:s8], $0x0  }
0x24: {  	s3 =	sadd.s32 $0x88, s3;
	s6 =	simm.s32 @!p1 $0x1082;
	[sflag:s4] =	ssyncset.s32 $0xFFFFF086  }
0x25: {  	[simem:s6], [sflag:s4] =	dma.local [hbm:s3], $0xF7A  }
0x26: {  	[smem:$0x3F98] =	sst s1;
	(tag) =	ssettag s2;
	_ =	strace s9  }
0x27: {  	s1 =	sld [smem:$0x3FA8]  }
0x28: {  	s2 =	sld [smem:$0x3FA9]  }
0x29: {  	s4 =	sld [smem:$0x3FAB]  }
0x2a: {  	p0 =	seq.s32 s5, $0x0;
	s5 =	sld [smem:$0x3FAC]  }
0x2b: {  	s6 =	sld [smem:$0x3FAD]  }
0x2c: {  	s7 =	sld [smem:$0x3FAE]  }
0x2d: {  	s3 =	simm.s32 $0x108;
	s8 =	sld [smem:$0x3FAF]  }
0x2e: {  	s3 =	simm.s32 @!p0 $0x1082;
	s9 =	sld [smem:$0x3FB0]  }
0x2f: {  	lr =	sadd.s32 s0, s3;
	s0 =	sld [smem:$0x3FA7]  }
0x30: {  	s3 =	sld [smem:$0x3FAA]  }
0x31: {  	[smem:$0x3FB3] =	sst s10  }
0x32: {  	s10 =	sld [smem:$0x3FB1];
	_ =	sdelay $0x3  }
0x33: {  	p0 =	seq.s32 s10, $0x1;
	s10 =	sld [smem:$0x3FB3];
	_ =	sdelay $0x3  }
0x34: {  	[smem:$0x3FB3] =	sst s10  }
0x35: {  	s10 =	sld [smem:$0x3FB2];
	_ =	sdelay $0x3  }
0x36: {  	p1 =	seq.s32 s10, $0x1;
	s10 =	sld [smem:$0x3FB3];
	_ =	sdelay $0x3  }
0x37: {  	[smem:$0x3FB3] =	sst s10  }
0x38: {  	s10 =	sld [smem:$0x3FB4]  }
0x39: {  	_ = 	snop;
	(pc) =	sbr.ind lr, $3  }
0x3a: {  	_ = 	snop  }
0x3b: {  	_ = 	snop  }
0x3c: {  	p2 =	seq.s32 s10, $0x1;
	s10 =	sld [smem:$0x3FB3]  }
0x3d: {  	_ =	shalt  }
0x3e: {  	_ =	shalt  }
0x3f: {  	_ =	shalt  }
0x40: {  	_ =	shalt  }
0x41: {  	_ =	shalt  }
0x42: {  	_ =	shalt  }
0x43: {  	_ =	shalt  }
0x44: {  	_ =	shalt  }
0x45: {  	_ =	shalt  }
0x46: {  	_ =	shalt  }
0x47: {  	_ =	shalt  }
0x48: {  	_ =	shalt  }
0x49: {  	_ =	shalt  }
0x4a: {  	_ =	shalt  }
0x4b: {  	_ =	shalt  }
0x4c: {  	_ =	shalt  }
0x4d: {  	_ =	shalt  }
0x4e: {  	_ =	shalt  }
0x4f: {  	_ =	shalt  }
0x50: {  	_ =	shalt  }
0x51: {  	_ =	shalt  }
0x52: {  	_ =	shalt  }
0x53: {  	_ =	shalt  }
0x54: {  	_ =	shalt  }
0x55: {  	_ =	shalt  }
0x56: {  	_ =	shalt  }
0x57: {  	_ =	shalt  }
0x58: {  	_ =	shalt  }
0x59: {  	_ =	shalt  }
0x5a: {  	_ =	shalt  }
0x5b: {  	_ =	shalt  }
0x5c: {  	_ =	shalt  }
0x5d: {  	_ =	shalt  }
0x5e: {  	_ =	shalt  }
0x5f: {  	_ =	shalt  }
0x60: {  	_ =	shalt  }
0x61: {  	_ =	shalt  }
0x62: {  	_ =	shalt  }
0x63: {  	_ =	shalt  }
0x64: {  	_ =	shalt  }
0x65: {  	_ =	shalt  }
0x66: {  	_ =	shalt  }
0x67: {  	_ =	shalt  }
0x68: {  	_ =	shalt  }
0x69: {  	_ =	shalt  }
0x6a: {  	_ =	shalt  }
0x6b: {  	_ =	shalt  }
0x6c: {  	_ =	shalt  }
0x6d: {  	_ =	shalt  }
0x6e: {  	_ =	shalt  }
0x6f: {  	_ =	shalt  }
0x70: {  	_ =	shalt  }
0x71: {  	_ =	shalt  }
0x72: {  	_ =	shalt  }
0x73: {  	_ =	shalt  }
0x74: {  	_ =	shalt  }
0x75: {  	_ =	shalt  }
0x76: {  	_ =	shalt  }
0x77: {  	_ =	shalt  }
0x78: {  	_ =	shalt  }
0x79: {  	_ =	shalt  }
0x7a: {  	_ =	shalt  }
0x7b: {  	_ =	shalt  }
0x7c: {  	_ =	shalt  }
0x7d: {  	_ =	shalt  }
0x7e: {  	_ =	shalt  }
0x7f: {  	_ =	shalt  }
0x80: {  	_ =	shalt  }
0x81: {  	_ =	shalt  }
0x82: {  	_ =	shalt  }
0x83: {  	_ =	shalt  }
0x84: {  	_ =	shalt  }
0x85: {  	_ =	shalt  }
0x86: {  	_ =	shalt  }
0x87: {  	_ =	shalt  }
.Lfunc_end0:
.L_simem_size_0:
called_computation.1_lowered:
.L_overlay_start_0:
0x88: {  	s2 =	sld [smem:$0x3FD9]  }
0x89: {  	s3 =	sld [smem:$0x3FFE];
	_ =	sdelay $0x1  }
0x8a: {  	s1 =	srdreg.scid  }
0x8b: {  	s0 =	sand.u32 $0x1, s1  }
0x8c: {  	s14 =	sshll.u32 s0, $0xA;
	s2 =	sadd.s32 s3, s2  }
0x8d: {  	s2 =	sadd.s32 s2, s14  }
0x8e: {  	[smem:$0x3FBF] =	sst s2  }
0x8f: {  	_ = 	snop  }
0x90: {  	s2 =	sld [smem:$0x3FD0];
	_ =	sdelay $0x2  }
0x91: {  	s15 =	simm.s32 $0xA;
	s4 =	simm.s32 $0x10  }
0x92: {  	[smem:s4], [sflag:s15] =	dma.local [hbm:s2], $0x1  }
0x93: {  	_ =	swait.eq [sflag:s15], $0x1  }
0x94: {  	[sflag:s15] =	ssyncset.done $0x0  }
0x95: {  	[sflag:s15] =	ssyncadd.s32 $0xFFFFFFFF  }
0x96: {  	s16 =	sld [smem:$0x10];
	(tm) =	ssettm $0x1  }
0x97: {  	s17 =	sld [smem:$0x3FFB];
	_ =	sdelay $0x3  }
0x98: {  	_ =	strace s17  }
0x99: {  	s3 =	sld [smem:$0x3FFC];
	_ =	sdelay $0x3  }
0x9a: {  	_ =	strace s3  }
0x9b: {  	s3 =	sld [smem:$0x3FFD];
	_ =	sdelay $0x3  }
0x9c: {  	_ =	strace s3  }
0x9d: {  	_ =	strace $0x8FFFFFFF  }
0x9e: {  	s18 =	sld [smem:$0x3FDB];
	_ =	sdelay $0x1  }
0x9f: {  	s19 =	simm.s32 $_scs_section_size  }
0xa0: {  	s5 =	simm.s32 $_size__tile_overlayer_lowered;
	s6 =	simm.s32 $_tile_overlayer_lowered  }
0xa1: {  	s22 =	simm.s32 $0x1BFF;
	s21 =	sshll.u32 s6, $0x1;
	s3 =	sadd.s32 s19, s18  }
0xa2: {  	s7 =	simm.s32 $0x0;
	s20 =	sshll.u32 s5, $0x1;
	s5 =	sadd.s32 s21, s3  }
0xa3: {  	[timem:s7], [sflag:s22] =	dma.local [hbm:s5], s20  }
0xa4: {  	_ =	swait.ge [sflag:s22], s20  }
0xa5: {  	s4 =	ssub.s32 $0x0, s20;
	[sflag:s22] =	ssyncset.done $0x0  }
0xa6: {  	[sflag:s22] =	ssyncadd.s32 s4;
	_ =	sdelay $0x1  }
0xa7: {  	s23 =	simm.s32 $0x1B8B  }
0xa8: {  	_ =	swait.ge [sflag:s23], $0x1  }
0xa9: {  	[sflag:s23] =	ssyncset.done $0x0  }
0xaa: {  	s25 =	simm.s32 $0x1B8E;
	s24 =	sld [smem:$0x3FFE];
	[sflag:s23] =	ssyncadd.s32 $0xFFFFFFFF  }
0xab: {  	s26 =	simm.s32 $execute0_lowered;
	[smem:$0x3FD2] =	sst s25  }
0xac: {  	s5 =	sshll.u32 s26, $0x1;
	_ =	strace $0x80000049;
	[dreg:$0x1] =	wrdreg $0xFFFFFFFF  }
0xad: {  	s28 =	simm.s32 $_size_execute0_lowered;
	s3 =	sadd.s32 s3, s5;
	[dreg:$0x0] =	wrdreg $0x0  }
0xae: {  	s5 =	sshll.u32 s28, $0x1;
	[dreg:$0x2] =	wrdreg s3  }
0xaf: {  	[dreg:$0x3] =	wrdreg s5  }
0xb0: {  	[dreg:$0x4] =	wrdreg $0xC0  }
0xb1: {  	_ =	task [dreg:s7], $0x5FFFF  }
0xb2: {  	[dreg:$0x1] =	wrdreg $0xFFFFFFFF  }
0xb3: {  	[dreg:$0x0] =	wrdreg $0x60  }
0xb4: {  	[dreg:$0x2] =	wrdreg s24  }
0xb5: {  	[dreg:$0x3] =	wrdreg s16  }
0xb6: {  	[dreg:$0x4] =	wrdreg $0x9  }
0xb7: {  	_ =	task.clear_ibuf [dreg:s7], $0x5FFFF;
	_ =	strace $0x90000049  }
0xb8: {  	s29 =	simm.s32 $0x9;
	_ =	strace $0x8000004B  }
0xb9: {  	_ =	swait.ge [sflag:s29], $0x1  }
0xba: {  	[sflag:s29] =	ssyncadd.s32 $0xFFFFFFFF  }
0xbb: {  	_ =	strace $0x9000004B  }
0xbc: {  	_ =	sfence  }
0xbd: {  	s30 =	sld [smem:$0x0];
	_ =	sdelay $0x2  }
0xbe: {  	s31 =	sshll.u32 s1, $0xD;
	s1 =	sshrl.u32 s1, $0x2  }
0xbf: {  	s3 =	sand.u32 $0x4000, s31;
	s1 =	sadd.s32 s1, s30  }
0xc0: {  	s0 =	sor.u32 s3, s0;
	s1 =	sshll.u32 s1, $0x11  }
0xc1: {  	s0 =	sor.u32 s1, s0  }
0xc2: {  	s0 =	sadd.s32 $0x8F2B, s0  }
0xc3: {  	[sflag:s0] =	ssyncadd.remote.s32 $0x1  }
0xc4: {  	_ =	sfence.sel $0xFFFF  }
0xc5: {  	[dreg:$0x0] =	wrdreg $0xFFFFFFFF;
	(pc) =	sbr.abs _section_cstart, $3  }
0xc6: {  	[dreg:$0x1] =	wrdreg $0xFFFFFFFF  }
0xc7: {  	_ =	task.clear_ibuf [dreg:s7], $0x2FFFF;
	_ =	strace $0x9FFFFFFF  }
0xc8: {  	(tm) =	ssettm $0x7FFFFFFF  }
0xc9: {  	_ =	shalt  }
tec
execute0_lowered:
.L_overlay_start_1:
0x0: {  	(tag) =	ssettag $0x1  }
0x1: {  	s1 =	rddreg [dreg:$0x0];
	s2 =	srdreg.scid  }
0x2: {  	s3 =	rddreg [dreg:$0x1];
	s4 =	sand.u32 $0x1, s2;
	s2 =	simm.s32 $0x0  }
0x3: {  	s24 =	simm.s32 $0x880;
	[smem:$0x7FF] =	sst s2  }
0x4: {  	s25 =	simm.s32 $0x1080;
	_ =	strace $0x8000004A;
	[dreg:$0x5] =	wrdreg s24  }
0x5: {  	s0 =	stileid.u32;
	s26 =	simm.s32 $0x1880;
	[dreg:$0x6] =	wrdreg s25  }
0x6: {  	s5 =	sshll.u32 s0, $0x1;
	s0 =	simm.s32 $0x2080;
	[dreg:$0x7] =	wrdreg s26  }
0x7: {  	s8 =	simm.s32 $0x4080;
	[dreg:$0x8] =	wrdreg s0  }
0x8: {  	s9 =	simm.s32 $0x4880;
	[dreg:$0xc] =	wrdreg s8  }
0x9: {  	s10 =	simm.s32 $0x5080;
	s11 =	simm.s32 $0x5880;
	[dreg:$0xd] =	wrdreg s9  }
0xa: {  	s12 =	simm.s32 $0x6080;
	s13 =	simm.s32 $0x6880;
	[dreg:$0xe] =	wrdreg s10  }
0xb: {  	s14 =	simm.s32 $0x7080;
	s15 =	simm.s32 $0x7880;
	[dreg:$0xf] =	wrdreg s11  }
0xc: {  	s16 =	simm.s32 $0x8080;
	s17 =	simm.s32 $0x8880;
	[dreg:$0x10] =	wrdreg s12  }
0xd: {  	s18 =	simm.s32 $0x9080;
	s20 =	simm.s32 $0x9880;
	[dreg:$0x11] =	wrdreg s13  }
0xe: {  	s21 =	simm.s32 $0xA080;
	s28 =	simm.s32 $0x16080;
	[dreg:$0x12] =	wrdreg s14  }
0xf: {  	s29 =	simm.s32 $0x16880;
	s30 =	simm.s32 $0x17080;
	[dreg:$0x13] =	wrdreg s15  }
0x10: {  	s31 =	simm.s32 $0x17880;
	s6 =	sor.u32 s4, s5;
	[dreg:$0x14] =	wrdreg s16  }
0x11: {  	s5 =	sand.u32 $0x10, s5;
	s4 =	ssub.s32 $0x2, s4;
	[dreg:$0x15] =	wrdreg s17  }
0x12: {  	s7 =	smul.u32 $0x3000, s6;
	s6 =	sshll.u32 s6, $0x5;
	[dreg:$0x16] =	wrdreg s18  }
0x13: {  	s3 =	sadd.s32 s3, s5;
	s5 =	simm.s32 $0x2880;
	[dreg:$0x17] =	wrdreg s20  }
0x14: {  	s19 =	sshrl.u32 s4, $0x1;
	[dreg:$0x18] =	wrdreg s21;
	s24 =	simm.s32 $0xB880  }
0x15: {  	s25 =	simm.s32 $0xC080;
	s8 =	simm.s32 $0x80;
	s26 =	simm.s32 $0xC880  }
0x16: {  	s10 =	simm.s32 $0xD880;
	s11 =	simm.s32 $0xE080;
	s12 =	simm.s32 $0xE880  }
0x17: {  	s13 =	simm.s32 $0xF080;
	s14 =	simm.s32 $0xF880;
	s15 =	simm.s32 $0x10080  }
0x18: {  	s16 =	simm.s32 $0x10880;
	s17 =	simm.s32 $0x11080;
	[dreg:$0x9] =	wrdreg s5  }
0x19: {  	s18 =	simm.s32 $0x11880;
	s20 =	simm.s32 $0x12880;
	[dreg:$0x1b] =	wrdreg s24  }
0x1a: {  	s21 =	simm.s32 $0x13080;
	s6 =	sand.u32 $0x1E0, s6;
	[dreg:$0x1c] =	wrdreg s25  }
0x1b: {  	s5 =	sadd.s32 $0x2000, s1;
	[dreg:$0x1d] =	wrdreg s26;
	s24 =	simm.s32 $0x14880  }
0x1c: {  	s25 =	simm.s32 $0x15080;
	s26 =	simm.s32 $0x15880;
	s3 =	sadd.s32 s6, s3  }
0x1d: {  	s22 =	sadd.s32 s7, s1;
	s6 =	simm.s32 $0x3080;
	[dreg:$0x3] =	wrdreg s3  }
0x1e: {  	s7 =	simm.s32 $0x3880;
	s23 =	sadd.s32 $0x91E00, s22;
	[dreg:$0xa] =	wrdreg s6  }
0x1f: {  	[dreg:$0xb] =	wrdreg s7;
	s3 =	sadd.s32 $0x1E00, s1;
	s6 =	ssub.s32 s4, s19  }
0x20: {  	s4 =	sadd.s32 $0x1F00, s1;
	s22 =	simm.s32 $0xA880;
	s7 =	simm.s32 $0x2  }
0x21: {  	v2 =	vlaneseq.u32;
	s19 =	simm.s32 $0x12080;
	s1 =	simm.s32 $0x1;
	[dreg:$0x4] =	wrdreg s23  }
0x22: {  	vm0 =	vmmov $0xffff;
	v1 =	vshrl.u32 v2, $0x3;
	[dreg:$0x19] =	wrdreg s22;
	s23 =	simm.s32 $0xB080;
	s6 =	smax.u32 s6, $0x1  }
0x23: {  	v0 =	vand.u32 $0x7, v2;
	v2 =	vor.u32 $0x8, v2;
	v1 =	vmul.u32 $0x8, v1;
	s22 =	simm.s32 $0x13880;
	[dreg:$0x1a] =	wrdreg s23;
	s23 =	simm.s32 $0x14080  }
.LBB2_1:
0x24: {  	s0 =	rddreg [dreg:$0x3]  }
0x25: {  	[tilespmem:s2], [sflag:$0x2] =	stream.linear.gather [hbm4b:s0+s2], $0x80, $0x38;
	[tilespmem:$0x18080] =	vst v63  }
0x26: {  	_ =	swait.ge [sflag:s7], $0x80  }
0x27: {  	[sflag:s7] =	ssyncset.done $0x0  }
0x28: {  	[sflag:s7] =	ssyncadd.s32 $0xFFFFFF80  }
0x29: {  	v3 =	vld [tilespmem:$0x0];
	_ =	sdelay $0x4  }
0x2a: {  	v4 =	vshrl.u32 v3, $0x3  }
0x2b: {  	v4 =	vmul.u32 $0x30, v4  }
0x2c: {  	v3 =	vand.u32 $0x7, v3  }
0x2d: {  	v3 =	vor.u32 v3, v4  }
0x2e: {  	v4 =	vperm.xlane v3, v0;
	_ =	sdelay $0x1  }
0x2f: {  	v4 =	vadd.s32 v1, v4;
	_ =	sdelay $0x3  }
0x30: {  	v3 =	vperm.xlane v3, v2  }
0x31: {  	[tilespmem:s8], [sflag:$0x1] =	stream.indirect_vreg.gather [hbm4b:s3+s2], $0x80, v4, vm0, $0xb8;
	[tilespmem:$0x18080] =	vst v63  }
0x32: {  	s0 =	rddreg [dreg:$0x5];
	v3 =	vadd.s32 v1, v3  }
0x33: {  	[tilespmem:s0], [sflag:$0x1] =	stream.indirect_vreg.gather [hbm4b:s4+s2], $0x80, v4, vm0, $0xb8;
	[tilespmem:$0x18080] =	vst v63  }
0x34: {  	s9 =	rddreg [dreg:$0x6]  }
0x35: {  	[tilespmem:s9], [sflag:$0x1] =	stream.indirect_vreg.gather [hbm4b:s5+s2], $0x80, v4, vm0, $0xb8;
	[tilespmem:$0x18080] =	vst v63  }
0x36: {  	s0 =	rddreg [dreg:$0x7]  }
0x37: {  	[tilespmem:s0], [sflag:$0x1] =	stream.indirect_vreg.gather [hbm4b:s3+s2], $0x80, v3, vm0, $0xb8;
	[tilespmem:$0x18080] =	vst v63  }
0x38: {  	s9 =	rddreg [dreg:$0x8]  }
0x39: {  	[tilespmem:s9], [sflag:$0x1] =	stream.indirect_vreg.gather [hbm4b:s4+s2], $0x80, v3, vm0, $0xb8;
	[tilespmem:$0x18080] =	vst v63  }
0x3a: {  	s0 =	rddreg [dreg:$0x9]  }
0x3b: {  	[tilespmem:s0], [sflag:$0x1] =	stream.indirect_vreg.gather [hbm4b:s5+s2], $0x80, v3, vm0, $0xb8;
	[tilespmem:$0x18080] =	vst v63  }
0x3c: {  	v3 =	vld [tilespmem:$0x10];
	_ =	sdelay $0x4  }
0x3d: {  	v57 =	vshrl.u32 v3, $0x3  }
0x3e: {  	v4 =	vmul.u32 $0x30, v57  }
0x3f: {  	v3 =	vand.u32 $0x7, v3  }
0x40: {  	v3 =	vor.u32 v3, v4  }
0x41: {  	v4 =	vperm.xlane v3, v0;
	_ =	sdelay $0x1  }
0x42: {  	v4 =	vadd.s32 v1, v4;
	_ =	sdelay $0x3  }
0x43: {  	s0 =	rddreg [dreg:$0xa];
	v3 =	vperm.xlane v3, v2  }
0x44: {  	[tilespmem:s0], [sflag:$0x1] =	stream.indirect_vreg.gather [hbm4b:s3+s2], $0x80, v4, vm0, $0xb8;
	[tilespmem:$0x18080] =	vst v63  }
0x45: {  	s9 =	rddreg [dreg:$0xb];
	v3 =	vadd.s32 v1, v3  }
0x46: {  	[tilespmem:s9], [sflag:$0x1] =	stream.indirect_vreg.gather [hbm4b:s4+s2], $0x80, v4, vm0, $0xb8;
	[tilespmem:$0x18080] =	vst v63  }
0x47: {  	s0 =	rddreg [dreg:$0xc]  }
0x48: {  	[tilespmem:s0], [sflag:$0x1] =	stream.indirect_vreg.gather [hbm4b:s5+s2], $0x80, v4, vm0, $0xb8;
	[tilespmem:$0x18080] =	vst v63  }
0x49: {  	s9 =	rddreg [dreg:$0xd]  }
0x4a: {  	[tilespmem:s9], [sflag:$0x1] =	stream.indirect_vreg.gather [hbm4b:s3+s2], $0x80, v3, vm0, $0xb8;
	[tilespmem:$0x18080] =	vst v63  }
0x4b: {  	s0 =	rddreg [dreg:$0xe]  }
0x4c: {  	[tilespmem:s0], [sflag:$0x1] =	stream.indirect_vreg.gather [hbm4b:s4+s2], $0x80, v3, vm0, $0xb8;
	[tilespmem:$0x18080] =	vst v63  }
0x4d: {  	s9 =	rddreg [dreg:$0xf]  }
0x4e: {  	[tilespmem:s9], [sflag:$0x1] =	stream.indirect_vreg.gather [hbm4b:s5+s2], $0x80, v3, vm0, $0xb8;
	[tilespmem:$0x18080] =	vst v63  }
0x4f: {  	v3 =	vld [tilespmem:$0x20];
	_ =	sdelay $0x4  }
0x50: {  	v58 =	vshrl.u32 v3, $0x3  }
0x51: {  	v4 =	vmul.u32 $0x30, v58  }
0x52: {  	v3 =	vand.u32 $0x7, v3  }
0x53: {  	v3 =	vor.u32 v3, v4  }
0x54: {  	v4 =	vperm.xlane v3, v0;
	_ =	sdelay $0x1  }
0x55: {  	v4 =	vadd.s32 v1, v4;
	_ =	sdelay $0x3  }
0x56: {  	s0 =	rddreg [dreg:$0x10];
	v3 =	vperm.xlane v3, v2  }
0x57: {  	[tilespmem:s0], [sflag:$0x1] =	stream.indirect_vreg.gather [hbm4b:s3+s2], $0x80, v4, vm0, $0xb8;
	[tilespmem:$0x18080] =	vst v63  }
0x58: {  	s9 =	rddreg [dreg:$0x11];
	v3 =	vadd.s32 v1, v3  }
0x59: {  	[tilespmem:s9], [sflag:$0x1] =	stream.indirect_vreg.gather [hbm4b:s4+s2], $0x80, v4, vm0, $0xb8;
	[tilespmem:$0x18080] =	vst v63  }
0x5a: {  	s0 =	rddreg [dreg:$0x12]  }
0x5b: {  	[tilespmem:s0], [sflag:$0x1] =	stream.indirect_vreg.gather [hbm4b:s5+s2], $0x80, v4, vm0, $0xb8;
	[tilespmem:$0x18080] =	vst v63  }
0x5c: {  	s9 =	rddreg [dreg:$0x13]  }
0x5d: {  	[tilespmem:s9], [sflag:$0x1] =	stream.indirect_vreg.gather [hbm4b:s3+s2], $0x80, v3, vm0, $0xb8;
	[tilespmem:$0x18080] =	vst v63  }
0x5e: {  	s0 =	rddreg [dreg:$0x14]  }
0x5f: {  	[tilespmem:s0], [sflag:$0x1] =	stream.indirect_vreg.gather [hbm4b:s4+s2], $0x80, v3, vm0, $0xb8;
	[tilespmem:$0x18080] =	vst v63  }
0x60: {  	s9 =	rddreg [dreg:$0x15]  }
0x61: {  	[tilespmem:s9], [sflag:$0x1] =	stream.indirect_vreg.gather [hbm4b:s5+s2], $0x80, v3, vm0, $0xb8;
	[tilespmem:$0x18080] =	vst v63  }
0x62: {  	v3 =	vld [tilespmem:$0x30];
	_ =	sdelay $0x4  }
0x63: {  	v59 =	vshrl.u32 v3, $0x3  }
0x64: {  	v4 =	vmul.u32 $0x30, v59  }
0x65: {  	v3 =	vand.u32 $0x7, v3  }
0x66: {  	v3 =	vor.u32 v3, v4  }
0x67: {  	v4 =	vperm.xlane v3, v0;
	_ =	sdelay $0x1  }
0x68: {  	v4 =	vadd.s32 v1, v4;
	_ =	sdelay $0x3  }
0x69: {  	s0 =	rddreg [dreg:$0x16];
	v3 =	vperm.xlane v3, v2  }
0x6a: {  	[tilespmem:s0], [sflag:$0x1] =	stream.indirect_vreg.gather [hbm4b:s3+s2], $0x80, v4, vm0, $0xb8;
	[tilespmem:$0x18080] =	vst v63  }
0x6b: {  	s9 =	rddreg [dreg:$0x17];
	v3 =	vadd.s32 v1, v3  }
0x6c: {  	[tilespmem:s9], [sflag:$0x1] =	stream.indirect_vreg.gather [hbm4b:s4+s2], $0x80, v4, vm0, $0xb8;
	[tilespmem:$0x18080] =	vst v63  }
0x6d: {  	s0 =	rddreg [dreg:$0x18]  }
0x6e: {  	[tilespmem:s0], [sflag:$0x1] =	stream.indirect_vreg.gather [hbm4b:s5+s2], $0x80, v4, vm0, $0xb8;
	[tilespmem:$0x18080] =	vst v63  }
0x6f: {  	s9 =	rddreg [dreg:$0x19]  }
0x70: {  	[tilespmem:s9], [sflag:$0x1] =	stream.indirect_vreg.gather [hbm4b:s3+s2], $0x80, v3, vm0, $0xb8;
	[tilespmem:$0x18080] =	vst v63  }
0x71: {  	s0 =	rddreg [dreg:$0x1a]  }
0x72: {  	[tilespmem:s0], [sflag:$0x1] =	stream.indirect_vreg.gather [hbm4b:s4+s2], $0x80, v3, vm0, $0xb8;
	[tilespmem:$0x18080] =	vst v63  }
0x73: {  	s9 =	rddreg [dreg:$0x1b]  }
0x74: {  	[tilespmem:s9], [sflag:$0x1] =	stream.indirect_vreg.gather [hbm4b:s5+s2], $0x80, v3, vm0, $0xb8;
	[tilespmem:$0x18080] =	vst v63  }
0x75: {  	v3 =	vld [tilespmem:$0x40];
	_ =	sdelay $0x4  }
0x76: {  	v60 =	vshrl.u32 v3, $0x3  }
0x77: {  	v4 =	vmul.u32 $0x30, v60  }
0x78: {  	v3 =	vand.u32 $0x7, v3  }
0x79: {  	v3 =	vor.u32 v3, v4  }
0x7a: {  	v4 =	vperm.xlane v3, v0;
	_ =	sdelay $0x1  }
0x7b: {  	v4 =	vadd.s32 v1, v4;
	_ =	sdelay $0x3  }
0x7c: {  	s0 =	rddreg [dreg:$0x1c];
	v3 =	vperm.xlane v3, v2  }
0x7d: {  	[tilespmem:s0], [sflag:$0x1] =	stream.indirect_vreg.gather [hbm4b:s3+s2], $0x80, v4, vm0, $0xb8;
	[tilespmem:$0x18080] =	vst v63  }
0x7e: {  	s9 =	rddreg [dreg:$0x1d];
	v3 =	vadd.s32 v1, v3  }
0x7f: {  	[tilespmem:s9], [sflag:$0x1] =	stream.indirect_vreg.gather [hbm4b:s4+s2], $0x80, v4, vm0, $0xb8;
	[tilespmem:$0x18080] =	vst v63  }
0x80: {  	s9 =	simm.s32 $0xD080  }
0x81: {  	[tilespmem:s9], [sflag:$0x1] =	stream.indirect_vreg.gather [hbm4b:s5+s2], $0x80, v4, vm0, $0xb8;
	[tilespmem:$0x18080] =	vst v63  }
0x82: {  	_ = 	snop  }
0x83: {  	[tilespmem:s10], [sflag:$0x1] =	stream.indirect_vreg.gather [hbm4b:s3+s2], $0x80, v3, vm0, $0xb8;
	[tilespmem:$0x18080] =	vst v63  }
0x84: {  	_ = 	snop  }
0x85: {  	[tilespmem:s11], [sflag:$0x1] =	stream.indirect_vreg.gather [hbm4b:s4+s2], $0x80, v3, vm0, $0xb8;
	[tilespmem:$0x18080] =	vst v63  }
0x86: {  	_ = 	snop  }
0x87: {  	[tilespmem:s12], [sflag:$0x1] =	stream.indirect_vreg.gather [hbm4b:s5+s2], $0x80, v3, vm0, $0xb8;
	[tilespmem:$0x18080] =	vst v63  }
0x88: {  	v3 =	vld [tilespmem:$0x50];
	_ =	sdelay $0x4  }
0x89: {  	v61 =	vshrl.u32 v3, $0x3  }
0x8a: {  	v4 =	vmul.u32 $0x30, v61  }
0x8b: {  	v3 =	vand.u32 $0x7, v3  }
0x8c: {  	v3 =	vor.u32 v3, v4  }
0x8d: {  	v4 =	vperm.xlane v3, v0;
	_ =	sdelay $0x1  }
0x8e: {  	v4 =	vadd.s32 v1, v4;
	_ =	sdelay $0x3  }
0x8f: {  	v3 =	vperm.xlane v3, v2  }
0x90: {  	[tilespmem:s13], [sflag:$0x1] =	stream.indirect_vreg.gather [hbm4b:s3+s2], $0x80, v4, vm0, $0xb8;
	[tilespmem:$0x18080] =	vst v63  }
0x91: {  	v3 =	vadd.s32 v1, v3  }
0x92: {  	[tilespmem:s14], [sflag:$0x1] =	stream.indirect_vreg.gather [hbm4b:s4+s2], $0x80, v4, vm0, $0xb8;
	[tilespmem:$0x18080] =	vst v63  }
0x93: {  	_ = 	snop  }
0x94: {  	[tilespmem:s15], [sflag:$0x1] =	stream.indirect_vreg.gather [hbm4b:s5+s2], $0x80, v4, vm0, $0xb8;
	[tilespmem:$0x18080] =	vst v63  }
0x95: {  	_ = 	snop  }
0x96: {  	[tilespmem:s16], [sflag:$0x1] =	stream.indirect_vreg.gather [hbm4b:s3+s2], $0x80, v3, vm0, $0xb8;
	[tilespmem:$0x18080] =	vst v63  }
0x97: {  	_ = 	snop  }
0x98: {  	[tilespmem:s17], [sflag:$0x1] =	stream.indirect_vreg.gather [hbm4b:s4+s2], $0x80, v3, vm0, $0xb8;
	[tilespmem:$0x18080] =	vst v63  }
0x99: {  	_ = 	snop  }
0x9a: {  	[tilespmem:s18], [sflag:$0x1] =	stream.indirect_vreg.gather [hbm4b:s5+s2], $0x80, v3, vm0, $0xb8;
	[tilespmem:$0x18080] =	vst v63  }
0x9b: {  	v3 =	vld [tilespmem:$0x60];
	_ =	sdelay $0x4  }
0x9c: {  	v62 =	vshrl.u32 v3, $0x3  }
0x9d: {  	v4 =	vmul.u32 $0x30, v62  }
0x9e: {  	v3 =	vand.u32 $0x7, v3  }
0x9f: {  	v3 =	vor.u32 v3, v4  }
0xa0: {  	v4 =	vperm.xlane v3, v0;
	_ =	sdelay $0x1  }
0xa1: {  	v4 =	vadd.s32 v1, v4;
	_ =	sdelay $0x3  }
0xa2: {  	v3 =	vperm.xlane v3, v2  }
0xa3: {  	[tilespmem:s19], [sflag:$0x1] =	stream.indirect_vreg.gather [hbm4b:s3+s2], $0x80, v4, vm0, $0xb8;
	[tilespmem:$0x18080] =	vst v63  }
0xa4: {  	v3 =	vadd.s32 v1, v3  }
0xa5: {  	[tilespmem:s20], [sflag:$0x1] =	stream.indirect_vreg.gather [hbm4b:s4+s2], $0x80, v4, vm0, $0xb8;
	[tilespmem:$0x18080] =	vst v63  }
0xa6: {  	_ = 	snop  }
0xa7: {  	[tilespmem:s21], [sflag:$0x1] =	stream.indirect_vreg.gather [hbm4b:s5+s2], $0x80, v4, vm0, $0xb8;
	[tilespmem:$0x18080] =	vst v63  }
0xa8: {  	_ = 	snop  }
0xa9: {  	[tilespmem:s22], [sflag:$0x1] =	stream.indirect_vreg.gather [hbm4b:s3+s2], $0x80, v3, vm0, $0xb8;
	[tilespmem:$0x18080] =	vst v63  }
0xaa: {  	_ = 	snop  }
0xab: {  	[tilespmem:s23], [sflag:$0x1] =	stream.indirect_vreg.gather [hbm4b:s4+s2], $0x80, v3, vm0, $0xb8;
	[tilespmem:$0x18080] =	vst v63  }
0xac: {  	_ = 	snop  }
0xad: {  	[tilespmem:s24], [sflag:$0x1] =	stream.indirect_vreg.gather [hbm4b:s5+s2], $0x80, v3, vm0, $0xb8;
	[tilespmem:$0x18080] =	vst v63  }
0xae: {  	v3 =	vld [tilespmem:$0x70];
	_ =	sdelay $0x4  }
0xaf: {  	v63 =	vshrl.u32 v3, $0x3  }
0xb0: {  	v4 =	vmul.u32 $0x30, v63  }
0xb1: {  	v3 =	vand.u32 $0x7, v3  }
0xb2: {  	v3 =	vor.u32 v3, v4  }
0xb3: {  	v4 =	vperm.xlane v3, v0;
	_ =	sdelay $0x1  }
0xb4: {  	v4 =	vadd.s32 v1, v4;
	_ =	sdelay $0x3  }
0xb5: {  	v3 =	vperm.xlane v3, v2  }
0xb6: {  	[tilespmem:s25], [sflag:$0x1] =	stream.indirect_vreg.gather [hbm4b:s3+s2], $0x80, v4, vm0, $0xb8;
	[tilespmem:$0x18080] =	vst v63  }
0xb7: {  	v3 =	vadd.s32 v1, v3  }
0xb8: {  	[tilespmem:s26], [sflag:$0x1] =	stream.indirect_vreg.gather [hbm4b:s4+s2], $0x80, v4, vm0, $0xb8;
	[tilespmem:$0x18080] =	vst v63  }
0xb9: {  	_ = 	snop  }
0xba: {  	[tilespmem:s28], [sflag:$0x1] =	stream.indirect_vreg.gather [hbm4b:s5+s2], $0x80, v4, vm0, $0xb8;
	[tilespmem:$0x18080] =	vst v63  }
0xbb: {  	_ = 	snop  }
0xbc: {  	[tilespmem:s29], [sflag:$0x1] =	stream.indirect_vreg.gather [hbm4b:s3+s2], $0x80, v3, vm0, $0xb8;
	[tilespmem:$0x18080] =	vst v63  }
0xbd: {  	_ = 	snop  }
0xbe: {  	[tilespmem:s30], [sflag:$0x1] =	stream.indirect_vreg.gather [hbm4b:s4+s2], $0x80, v3, vm0, $0xb8;
	[tilespmem:$0x18080] =	vst v63  }
0xbf: {  	_ = 	snop  }
0xc0: {  	[tilespmem:s31], [sflag:$0x1] =	stream.indirect_vreg.gather [hbm4b:s5+s2], $0x80, v3, vm0, $0xb8;
	[tilespmem:$0x18080] =	vst v63  }
0xc1: {  	_ =	swait.ge [sflag:s1], $0x18000  }
0xc2: {  	p0 =	sne.s32 s6, $0x1;
	[sflag:s1] =	ssyncset.done $0x0  }
.Ltmp0:
0xc3: {  	s9 =	rddreg [dreg:$0x4];
	[sflag:s1] =	ssyncadd.s32 $0xFFFE8000;
	(pc) =	sbr.rel @p0 .LBB2_1-.Ltmp0, $4  }
0xc4: {  	[hbm4b:s9+s2] =	stream.linear.scatter [tilespmem:s8], [sflag:$0x2], $0x18000, $0x38;
	[tilespmem:$0x18080] =	vst v63  }
0xc5: {  	_ =	swait.ge [sflag:s7], $0x18000  }
0xc6: {  	[sflag:s7] =	ssyncset.done $0x0  }
0xc7: {  	s6 =	sadd.s32 $0xFFFFFFFF, s6;
	[sflag:s7] =	ssyncadd.s32 $0xFFFE8000  }
0xc8: {  	_ =	sfence.sel $0x180000  }
0xc9: {  	[bflag:$0x0] =	sbarrier.arrive $0xFFFF  }
0xca: {  	_ =	strace $0x9000004A  }
0xcb: {  	s0 =	stileid.u32;
	[bflag:$0x2] =	sbarrier.arrive $0xFFFF  }
0xcc: {  	p0 =	sne.s32 s0, $0x0;
	s0 =	rddreg [dreg:$0x2]  }
0xcd: {  	s0 =	sadd.s32 @!p0 $0x100000, s0  }
0xce: {  	[sflag:s0] =	ssyncadd.tile.s32 @!p0 $0x1;
	_ =	shalt  }
.Lfunc_end2:
_tile_overlayer_lowered:
.L_overlay_start_2:
0xcf: {  	(tag) =	ssettag $0x2  }
0xd0: {  	s0 =	rddreg [dreg:$0x0];
	s2 =	stileid.u32  }
0xd1: {  	s1 =	rddreg [dreg:$0x1];
	p0 =	sne.s32 s2, $0x0  }
0xd2: {  	s3 =	rddreg [dreg:$0x2];
	[bflag:$0x3] =	sbarrier.arrive $0xFFFF;
	s2 =	simm.s32 @!p0 $0x1C02  }
0xd3: {  	[timem:s3], [sflag:s2] =	dma.local @!p0 [hbm:s0], s1  }
0xd4: {  	s0 =	simm.s32 @!p0 $0x2  }
0xd5: {  	_ =	swait.ge @!p0 [sflag:s0], s1  }
0xd6: {  	s1 =	ssub.s32 @!p0 $0x0, s1;
	[sflag:s0] =	ssyncset.done @!p0 $0x0  }
0xd7: {  	[sflag:s0] =	ssyncadd.s32 @!p0 s1  }
0xd8: {  	[bflag:$0x3] =	sbarrier.arrive $0xFFFF  }
0xd9: {  	_ =	shalt  }

// kernel: kernel.8.cloned.1.call-start
scs
__scs_entry_jumppad:
0x0: {  	(pc) =	sbr.rel $0x88, $3  }
0x1: {  	(tag) =	ssettag $0x0;
	lr =	simm.s32 $0x1  }
0x2: {  	[smem:$0x3F98] =	sst lr;
	_ =	strace $0xD0000000  }
0x3: {  	_ = 	snop  }
0x4: {  	_ = 	snop  }
0x5: {  	_ = 	snop  }
0x6: {  	_ = 	snop  }
0x7: {  	_ = 	snop  }
__scs_overlays_trampoline_lowered:
0x8: {  	[smem:$0x3FA7] =	sst s0  }
0x9: {  	[smem:$0x3FA8] =	sst s1  }
0xa: {  	[smem:$0x3FA9] =	sst s2  }
0xb: {  	[smem:$0x3FAA] =	sst s3  }
0xc: {  	[smem:$0x3FAB] =	sst s4  }
0xd: {  	[smem:$0x3FAC] =	sst s5  }
0xe: {  	[smem:$0x3FAD] =	sst s6  }
0xf: {  	[smem:$0x3FAE] =	sst s7  }
0x10: {  	[smem:$0x3FAF] =	sst s8  }
0x11: {  	[smem:$0x3FB0] =	sst s9;
	s0 =	simm.s32 @!p0 $0x0  }
0x12: {  	s1 =	sld [smem:$0x3F96];
	s0 =	simm.s32 @p0 $0x1  }
0x13: {  	[smem:$0x3FB1] =	sst s0;
	s0 =	simm.s32 @!p1 $0x0  }
0x14: {  	s2 =	sld [smem:$0x3F95];
	s0 =	simm.s32 @p1 $0x1  }
0x15: {  	[smem:$0x3FB2] =	sst s0;
	s0 =	simm.s32 @!p2 $0x0  }
0x16: {  	s3 =	sld [smem:$0x3FDB];
	s0 =	simm.s32 @p2 $0x1  }
0x17: {  	s4 =	simm.s32 $0x1BF5;
	[smem:$0x3FB4] =	sst s0  }
0x18: {  	s0 =	sld [smem:$0x3F97];
	_ =	swait.ge [sflag:s4], $0x0  }
0x19: {  	s7 =	sld [smem:$0x3F98]  }
0x1a: {  	s8 =	sadd.s32 $0xFFFFE003, lr  }
0x1b: {  	s9 =	sadd.s32 $0xFFFFFEF7, lr;
	s5 =	simm.s32 $0xFFFFFFFF;
	p2 =	slt.u32 s8, $0xFFFFF086  }
0x1c: {  	p1 =	slt.u32 s9, $0xF7A;
	s5 =	simm.s32 @!p2 $0x0  }
0x1d: {  	s5 =	simm.s32 @p1 $0x1;
	p0 =	seq.s32 s7, s2  }
0x1e: {  	s7 =	smul.u32 @!p0 $0xF7A, s2;
	p2 =	seq.s32 @!p0 s5, $0x0  }
0x1f: {  	s9 =	smul.u32 $0xF7A, s1;
	s8 =	simm.s32 @!p0 $0x1BF5;
	p2 =	por !p2, p0  }
0x20: {  	[sflag:s8] =	ssyncset.s32 @!p0 $0xFFFFF086;
	s6 =	sadd.s32 @!p0 s3, s7;
	s7 =	simm.s32 @!p0 $0x108  }
0x21: {  	s3 =	sadd.s32 s3, s9;
	s6 =	sadd.s32 @!p0 $0x88, s6;
	s7 =	simm.s32 @p2 $0x1082  }
0x22: {  	[simem:s7], [sflag:s8] =	dma.local @!p0 [hbm:s6], $0xF7A  }
0x23: {  	s9 =	sor.u32 $0xD0000000, s2;
	s6 =	simm.s32 $0x108;
	_ =	swait.ge @!p0 [sflag:s8], $0x0  }
0x24: {  	s3 =	sadd.s32 $0x88, s3;
	s6 =	simm.s32 @!p1 $0x1082;
	[sflag:s4] =	ssyncset.s32 $0xFFFFF086  }
0x25: {  	[simem:s6], [sflag:s4] =	dma.local [hbm:s3], $0xF7A  }
0x26: {  	[smem:$0x3F98] =	sst s1;
	(tag) =	ssettag s2;
	_ =	strace s9  }
0x27: {  	s1 =	sld [smem:$0x3FA8]  }
0x28: {  	s2 =	sld [smem:$0x3FA9]  }
0x29: {  	s4 =	sld [smem:$0x3FAB]  }
0x2a: {  	p0 =	seq.s32 s5, $0x0;
	s5 =	sld [smem:$0x3FAC]  }
0x2b: {  	s6 =	sld [smem:$0x3FAD]  }
0x2c: {  	s7 =	sld [smem:$0x3FAE]  }
0x2d: {  	s3 =	simm.s32 $0x108;
	s8 =	sld [smem:$0x3FAF]  }
0x2e: {  	s3 =	simm.s32 @!p0 $0x1082;
	s9 =	sld [smem:$0x3FB0]  }
0x2f: {  	lr =	sadd.s32 s0, s3;
	s0 =	sld [smem:$0x3FA7]  }
0x30: {  	s3 =	sld [smem:$0x3FAA]  }
0x31: {  	[smem:$0x3FB3] =	sst s10  }
0x32: {  	s10 =	sld [smem:$0x3FB1];
	_ =	sdelay $0x3  }
0x33: {  	p0 =	seq.s32 s10, $0x1;
	s10 =	sld [smem:$0x3FB3];
	_ =	sdelay $0x3  }
0x34: {  	[smem:$0x3FB3] =	sst s10  }
0x35: {  	s10 =	sld [smem:$0x3FB2];
	_ =	sdelay $0x3  }
0x36: {  	p1 =	seq.s32 s10, $0x1;
	s10 =	sld [smem:$0x3FB3];
	_ =	sdelay $0x3  }
0x37: {  	[smem:$0x3FB3] =	sst s10  }
0x38: {  	s10 =	sld [smem:$0x3FB4]  }
0x39: {  	_ = 	snop;
	(pc) =	sbr.ind lr, $3  }
0x3a: {  	_ = 	snop  }
0x3b: {  	_ = 	snop  }
0x3c: {  	p2 =	seq.s32 s10, $0x1;
	s10 =	sld [smem:$0x3FB3]  }
0x3d: {  	_ =	shalt  }
0x3e: {  	_ =	shalt  }
0x3f: {  	_ =	shalt  }
0x40: {  	_ =	shalt  }
0x41: {  	_ =	shalt  }
0x42: {  	_ =	shalt  }
0x43: {  	_ =	shalt  }
0x44: {  	_ =	shalt  }
0x45: {  	_ =	shalt  }
0x46: {  	_ =	shalt  }
0x47: {  	_ =	shalt  }
0x48: {  	_ =	shalt  }
0x49: {  	_ =	shalt  }
0x4a: {  	_ =	shalt  }
0x4b: {  	_ =	shalt  }
0x4c: {  	_ =	shalt  }
0x4d: {  	_ =	shalt  }
0x4e: {  	_ =	shalt  }
0x4f: {  	_ =	shalt  }
0x50: {  	_ =	shalt  }
0x51: {  	_ =	shalt  }
0x52: {  	_ =	shalt  }
0x53: {  	_ =	shalt  }
0x54: {  	_ =	shalt  }
0x55: {  	_ =	shalt  }
0x56: {  	_ =	shalt  }
0x57: {  	_ =	shalt  }
0x58: {  	_ =	shalt  }
0x59: {  	_ =	shalt  }
0x5a: {  	_ =	shalt  }
0x5b: {  	_ =	shalt  }
0x5c: {  	_ =	shalt  }
0x5d: {  	_ =	shalt  }
0x5e: {  	_ =	shalt  }
0x5f: {  	_ =	shalt  }
0x60: {  	_ =	shalt  }
0x61: {  	_ =	shalt  }
0x62: {  	_ =	shalt  }
0x63: {  	_ =	shalt  }
0x64: {  	_ =	shalt  }
0x65: {  	_ =	shalt  }
0x66: {  	_ =	shalt  }
0x67: {  	_ =	shalt  }
0x68: {  	_ =	shalt  }
0x69: {  	_ =	shalt  }
0x6a: {  	_ =	shalt  }
0x6b: {  	_ =	shalt  }
0x6c: {  	_ =	shalt  }
0x6d: {  	_ =	shalt  }
0x6e: {  	_ =	shalt  }
0x6f: {  	_ =	shalt  }
0x70: {  	_ =	shalt  }
0x71: {  	_ =	shalt  }
0x72: {  	_ =	shalt  }
0x73: {  	_ =	shalt  }
0x74: {  	_ =	shalt  }
0x75: {  	_ =	shalt  }
0x76: {  	_ =	shalt  }
0x77: {  	_ =	shalt  }
0x78: {  	_ =	shalt  }
0x79: {  	_ =	shalt  }
0x7a: {  	_ =	shalt  }
0x7b: {  	_ =	shalt  }
0x7c: {  	_ =	shalt  }
0x7d: {  	_ =	shalt  }
0x7e: {  	_ =	shalt  }
0x7f: {  	_ =	shalt  }
0x80: {  	_ =	shalt  }
0x81: {  	_ =	shalt  }
0x82: {  	_ =	shalt  }
0x83: {  	_ =	shalt  }
0x84: {  	_ =	shalt  }
0x85: {  	_ =	shalt  }
0x86: {  	_ =	shalt  }
0x87: {  	_ =	shalt  }
.Lfunc_end0:
.L_simem_size_0:
called_computation_lowered:
.L_overlay_start_0:
0x88: {  	s2 =	sld [smem:$0x3FD9]  }
0x89: {  	s3 =	sld [smem:$0x3FFE];
	_ =	sdelay $0x1  }
0x8a: {  	s1 =	srdreg.scid  }
0x8b: {  	s0 =	sand.u32 $0x1, s1  }
0x8c: {  	s14 =	sshll.u32 s0, $0xA;
	s2 =	sadd.s32 s3, s2  }
0x8d: {  	s2 =	sadd.s32 s2, s14  }
0x8e: {  	[smem:$0x3FBF] =	sst s2  }
0x8f: {  	_ = 	snop  }
0x90: {  	s2 =	sld [smem:$0x3FD0];
	_ =	sdelay $0x2  }
0x91: {  	s4 =	simm.s32 $0xA;
	s5 =	simm.s32 $0x10;
	s15 =	sld [smem:$0x3FC9]  }
0x92: {  	[smem:s5], [sflag:s4] =	dma.local [hbm:s2], $0x1  }
0x93: {  	_ =	swait.eq [sflag:s4], $0x1  }
0x94: {  	[sflag:s4] =	ssyncset.done $0x0  }
0x95: {  	[sflag:s4] =	ssyncadd.s32 $0xFFFFFFFF  }
0x96: {  	s16 =	sld [smem:$0x10];
	(tm) =	ssettm $0x1  }
0x97: {  	s17 =	sld [smem:$0x3FFB];
	_ =	sdelay $0x3  }
0x98: {  	_ =	strace s17  }
0x99: {  	s4 =	sld [smem:$0x3FFC];
	_ =	sdelay $0x3  }
0x9a: {  	_ =	strace s4  }
0x9b: {  	s4 =	sld [smem:$0x3FFD];
	_ =	sdelay $0x3  }
0x9c: {  	_ =	strace s4  }
0x9d: {  	_ =	strace $0x8FFFFFFF  }
0x9e: {  	s18 =	sld [smem:$0x3FDB];
	_ =	sdelay $0x1  }
0x9f: {  	s19 =	simm.s32 $_scs_section_size  }
0xa0: {  	s6 =	simm.s32 $_size__tile_overlayer_lowered;
	s7 =	simm.s32 $_tile_overlayer_lowered  }
0xa1: {  	s22 =	simm.s32 $0x1BFF;
	s21 =	sshll.u32 s7, $0x1;
	s4 =	sadd.s32 s19, s18  }
0xa2: {  	s8 =	simm.s32 $0x0;
	s20 =	sshll.u32 s6, $0x1;
	s6 =	sadd.s32 s21, s4  }
0xa3: {  	[timem:s8], [sflag:s22] =	dma.local [hbm:s6], s20  }
0xa4: {  	_ =	swait.ge [sflag:s22], s20  }
0xa5: {  	s5 =	ssub.s32 $0x0, s20;
	[sflag:s22] =	ssyncset.done $0x0  }
0xa6: {  	[sflag:s22] =	ssyncadd.s32 s5;
	_ =	sdelay $0x1  }
0xa7: {  	s23 =	simm.s32 $0x1B8B  }
0xa8: {  	_ =	swait.ge [sflag:s23], $0x1  }
0xa9: {  	[sflag:s23] =	ssyncset.done $0x0  }
0xaa: {  	s25 =	simm.s32 $0x1B8E;
	s24 =	sld [smem:$0x3FFE];
	[sflag:s23] =	ssyncadd.s32 $0xFFFFFFFF  }
0xab: {  	s26 =	simm.s32 $execute0_lowered;
	[smem:$0x3FD2] =	sst s25  }
0xac: {  	s6 =	sshll.u32 s26, $0x1;
	_ =	strace $0x80000046;
	[dreg:$0x1] =	wrdreg $0xFFFFFFFF  }
0xad: {  	s28 =	simm.s32 $_size_execute0_lowered;
	s4 =	sadd.s32 s4, s6;
	[dreg:$0x0] =	wrdreg $0x0  }
0xae: {  	s6 =	sshll.u32 s28, $0x1;
	[dreg:$0x2] =	wrdreg s4  }
0xaf: {  	[dreg:$0x3] =	wrdreg s6  }
0xb0: {  	[dreg:$0x4] =	wrdreg $0xC0  }
0xb1: {  	_ =	task [dreg:s8], $0x5FFFF  }
0xb2: {  	[dreg:$0x1] =	wrdreg $0xFFFFFFFF  }
0xb3: {  	[dreg:$0x0] =	wrdreg $0x60  }
0xb4: {  	[dreg:$0x2] =	wrdreg s15  }
0xb5: {  	[dreg:$0x3] =	wrdreg s16  }
0xb6: {  	[dreg:$0x4] =	wrdreg s24  }
0xb7: {  	[dreg:$0x5] =	wrdreg $0x9  }
0xb8: {  	_ =	task.clear_ibuf [dreg:s8], $0x6FFFF;
	_ =	strace $0x90000046  }
0xb9: {  	s29 =	simm.s32 $0x9;
	_ =	strace $0x80000048  }
0xba: {  	_ =	swait.ge [sflag:s29], $0x1  }
0xbb: {  	[sflag:s29] =	ssyncadd.s32 $0xFFFFFFFF  }
0xbc: {  	_ =	strace $0x90000048  }
0xbd: {  	_ =	sfence  }
0xbe: {  	s30 =	sld [smem:$0x0];
	_ =	sdelay $0x2  }
0xbf: {  	s31 =	sshll.u32 s1, $0xD;
	s1 =	sshrl.u32 s1, $0x2  }
0xc0: {  	s3 =	sand.u32 $0x4000, s31;
	s1 =	sadd.s32 s1, s30  }
0xc1: {  	s0 =	sor.u32 s3, s0;
	s1 =	sshll.u32 s1, $0x11  }
0xc2: {  	s0 =	sor.u32 s1, s0  }
0xc3: {  	s0 =	sadd.s32 $0x8F2B, s0  }
0xc4: {  	[sflag:s0] =	ssyncadd.remote.s32 $0x1  }
0xc5: {  	_ =	sfence.sel $0xFFFF  }
0xc6: {  	[dreg:$0x0] =	wrdreg $0xFFFFFFFF;
	(pc) =	sbr.abs _section_cstart, $3  }
0xc7: {  	[dreg:$0x1] =	wrdreg $0xFFFFFFFF  }
0xc8: {  	_ =	task.clear_ibuf [dreg:s8], $0x2FFFF;
	_ =	strace $0x9FFFFFFF  }
0xc9: {  	(tm) =	ssettm $0x7FFFFFFF  }
tec
execute0_lowered:
.L_overlay_start_1:
0x0: {  	(tag) =	ssettag $0x1  }
0x1: {  	s3 =	rddreg [dreg:$0x0]  }
0x2: {  	s4 =	rddreg [dreg:$0x1]  }
0x3: {  	s0 =	rddreg [dreg:$0x2];
	s2 =	simm.s32 $0x0  }
0x4: {  	s24 =	simm.s32 $0x880;
	[smem:$0x7FF] =	sst s2  }
0x5: {  	s25 =	simm.s32 $0x1080;
	_ =	strace $0x80000047;
	[dreg:$0x6] =	wrdreg s24  }
0x6: {  	s1 =	stileid.u32;
	s26 =	simm.s32 $0x1880;
	[dreg:$0x7] =	wrdreg s25  }
0x7: {  	s6 =	sshll.u32 s1, $0x1;
	s1 =	simm.s32 $0x2080;
	[dreg:$0x8] =	wrdreg s26  }
0x8: {  	s9 =	simm.s32 $0x4880;
	[dreg:$0x9] =	wrdreg s1  }
0x9: {  	s10 =	simm.s32 $0x5080;
	[dreg:$0xe] =	wrdreg s9  }
0xa: {  	s11 =	simm.s32 $0x5880;
	[dreg:$0xf] =	wrdreg s10  }
0xb: {  	s12 =	simm.s32 $0x6080;
	[dreg:$0x10] =	wrdreg s11  }
0xc: {  	s13 =	simm.s32 $0x6880;
	[dreg:$0x11] =	wrdreg s12  }
0xd: {  	s14 =	simm.s32 $0x7080;
	[dreg:$0x12] =	wrdreg s13  }
0xe: {  	s15 =	simm.s32 $0x7880;
	[dreg:$0x13] =	wrdreg s14  }
0xf: {  	s5 =	srdreg.scid;
	s16 =	simm.s32 $0x8080;
	[dreg:$0x14] =	wrdreg s15  }
0x10: {  	s17 =	simm.s32 $0x8880;
	s18 =	simm.s32 $0x9080;
	[dreg:$0x15] =	wrdreg s16  }
0x11: {  	s20 =	simm.s32 $0x9880;
	s21 =	simm.s32 $0xA080;
	[dreg:$0x16] =	wrdreg s17  }
0x12: {  	s22 =	simm.s32 $0xA880;
	s28 =	simm.s32 $0x16080;
	[dreg:$0x17] =	wrdreg s18  }
0x13: {  	s29 =	simm.s32 $0x16880;
	s30 =	simm.s32 $0x17080;
	[dreg:$0x18] =	wrdreg s20  }
0x14: {  	s31 =	simm.s32 $0x17880;
	s5 =	sand.u32 $0x1, s5;
	[dreg:$0x19] =	wrdreg s21  }
0x15: {  	s7 =	sand.u32 $0xE, s6;
	s6 =	sand.u32 $0x10, s6;
	[dreg:$0x1a] =	wrdreg s22  }
0x16: {  	s24 =	simm.s32 $0xB880;
	s25 =	simm.s32 $0xC080;
	s26 =	simm.s32 $0xC880  }
0x17: {  	s10 =	simm.s32 $0xD880;
	s11 =	simm.s32 $0xE080;
	s12 =	simm.s32 $0xE880  }
0x18: {  	s13 =	simm.s32 $0xF080;
	s14 =	simm.s32 $0xF880;
	s15 =	simm.s32 $0x10080  }
0x19: {  	s16 =	simm.s32 $0x10880;
	s17 =	simm.s32 $0x11080;
	s18 =	simm.s32 $0x11880  }
0x1a: {  	s20 =	simm.s32 $0x12880;
	s21 =	simm.s32 $0x13080;
	s22 =	simm.s32 $0x13880  }
0x1b: {  	s7 =	sor.u32 s5, s7;
	s4 =	sadd.s32 s4, s6;
	[dreg:$0x1c] =	wrdreg s24  }
0x1c: {  	s6 =	simm.s32 $0x3080;
	s5 =	ssub.s32 $0x2, s5;
	[dreg:$0x1d] =	wrdreg s25  }
0x1d: {  	[dreg:$0x1e] =	wrdreg s26;
	s24 =	simm.s32 $0x14880;
	s25 =	simm.s32 $0x15080  }
0x1e: {  	s26 =	simm.s32 $0x15880;
	s8 =	sshll.u32 s7, $0x5;
	s23 =	smul.u32 $0x3000, s7  }
0x1f: {  	[dreg:$0xb] =	wrdreg s6;
	s7 =	simm.s32 $0x3880;
	s19 =	sshrl.u32 s5, $0x1  }
0x20: {  	s4 =	sadd.s32 s8, s4;
	[dreg:$0xc] =	wrdreg s7;
	s8 =	simm.s32 $0x4080  }
0x21: {  	s6 =	ssub.s32 s5, s19;
	s5 =	sadd.s32 $0x2000, s0;
	s7 =	simm.s32 $0x2  }
0x22: {  	s19 =	simm.s32 $0x12080;
	[dreg:$0x4] =	wrdreg s4;
	s3 =	sadd.s32 s3, s23  }
0x23: {  	s4 =	simm.s32 $0x2880;
	[dreg:$0xd] =	wrdreg s8;
	s23 =	simm.s32 $0xB080  }
0x24: {  	v2 =	vlaneseq.u32;
	s6 =	smax.u32 s6, $0x1;
	s8 =	simm.s32 $0x80;
	[dreg:$0x5] =	wrdreg s3  }
0x25: {  	vm0 =	vmmov $0xffff;
	v1 =	vshrl.u32 v2, $0x3;
	[dreg:$0xa] =	wrdreg s4;
	s3 =	sadd.s32 $0x1E00, s0;
	s4 =	sadd.s32 $0x1F00, s0  }
0x26: {  	v0 =	vand.u32 $0x7, v2;
	v2 =	vor.u32 $0x8, v2;
	v1 =	vmul.u32 $0x8, v1;
	[dreg:$0x1b] =	wrdreg s23;
	s23 =	simm.s32 $0x14080;
	s0 =	simm.s32 $0x1  }
.LBB2_1:
0x27: {  	s1 =	rddreg [dreg:$0x4]  }
0x28: {  	[tilespmem:s2], [sflag:$0x2] =	stream.linear.gather [hbm4b:s1+s2], $0x80, $0x38;
	[tilespmem:$0x18080] =	vst v63  }
0x29: {  	_ =	swait.ge [sflag:s7], $0x80  }
0x2a: {  	[sflag:s7] =	ssyncset.done $0x0  }
0x2b: {  	s9 =	rddreg [dreg:$0x5];
	[sflag:s7] =	ssyncadd.s32 $0xFFFFFF80  }
0x2c: {  	[tilespmem:s8], [sflag:$0x2] =	stream.linear.gather [hbm4b:s9+s2], $0x18000, $0x38;
	[tilespmem:$0x18080] =	vst v63  }
0x2d: {  	_ =	swait.ge [sflag:s7], $0x18000  }
0x2e: {  	[sflag:s7] =	ssyncset.done $0x0  }
0x2f: {  	[sflag:s7] =	ssyncadd.s32 $0xFFFE8000  }
0x30: {  	v3 =	vld [tilespmem:$0x0];
	_ =	sdelay $0x4  }
0x31: {  	v4 =	vshrl.u32 v3, $0x3  }
0x32: {  	v4 =	vmul.u32 $0x30, v4  }
0x33: {  	v3 =	vand.u32 $0x7, v3  }
0x34: {  	v3 =	vor.u32 v3, v4  }
0x35: {  	v4 =	vperm.xlane v3, v0;
	_ =	sdelay $0x1  }
0x36: {  	v4 =	vadd.s32 v1, v4;
	_ =	sdelay $0x3  }
0x37: {  	v3 =	vperm.xlane v3, v2  }
0x38: {  	[hbm4b:s3+s2] =	stream.indirect_vreg.scatter [tilespmem:s8], [sflag:$0x1], $0x80, v4, vm0, $0xb8;
	[tilespmem:$0x18080] =	vst v63  }
0x39: {  	s1 =	rddreg [dreg:$0x6];
	v3 =	vadd.s32 v1, v3  }
0x3a: {  	[hbm4b:s4+s2] =	stream.indirect_vreg.scatter [tilespmem:s1], [sflag:$0x1], $0x80, v4, vm0, $0xb8;
	[tilespmem:$0x18080] =	vst v63  }
0x3b: {  	s9 =	rddreg [dreg:$0x7]  }
0x3c: {  	[hbm4b:s5+s2] =	stream.indirect_vreg.scatter [tilespmem:s9], [sflag:$0x1], $0x80, v4, vm0, $0xb8;
	[tilespmem:$0x18080] =	vst v63  }
0x3d: {  	s1 =	rddreg [dreg:$0x8]  }
0x3e: {  	[hbm4b:s3+s2] =	stream.indirect_vreg.scatter [tilespmem:s1], [sflag:$0x1], $0x80, v3, vm0, $0xb8;
	[tilespmem:$0x18080] =	vst v63  }
0x3f: {  	s9 =	rddreg [dreg:$0x9]  }
0x40: {  	[hbm4b:s4+s2] =	stream.indirect_vreg.scatter [tilespmem:s9], [sflag:$0x1], $0x80, v3, vm0, $0xb8;
	[tilespmem:$0x18080] =	vst v63  }
0x41: {  	s1 =	rddreg [dreg:$0xa]  }
0x42: {  	[hbm4b:s5+s2] =	stream.indirect_vreg.scatter [tilespmem:s1], [sflag:$0x1], $0x80, v3, vm0, $0xb8;
	[tilespmem:$0x18080] =	vst v63  }
0x43: {  	v3 =	vld [tilespmem:$0x10];
	_ =	sdelay $0x4  }
0x44: {  	v57 =	vshrl.u32 v3, $0x3  }
0x45: {  	v4 =	vmul.u32 $0x30, v57  }
0x46: {  	v3 =	vand.u32 $0x7, v3  }
0x47: {  	v3 =	vor.u32 v3, v4  }
0x48: {  	v4 =	vperm.xlane v3, v0;
	_ =	sdelay $0x1  }
0x49: {  	v4 =	vadd.s32 v1, v4;
	_ =	sdelay $0x3  }
0x4a: {  	s1 =	rddreg [dreg:$0xb];
	v3 =	vperm.xlane v3, v2  }
0x4b: {  	[hbm4b:s3+s2] =	stream.indirect_vreg.scatter [tilespmem:s1], [sflag:$0x1], $0x80, v4, vm0, $0xb8;
	[tilespmem:$0x18080] =	vst v63  }
0x4c: {  	s9 =	rddreg [dreg:$0xc];
	v3 =	vadd.s32 v1, v3  }
0x4d: {  	[hbm4b:s4+s2] =	stream.indirect_vreg.scatter [tilespmem:s9], [sflag:$0x1], $0x80, v4, vm0, $0xb8;
	[tilespmem:$0x18080] =	vst v63  }
0x4e: {  	s1 =	rddreg [dreg:$0xd]  }
0x4f: {  	[hbm4b:s5+s2] =	stream.indirect_vreg.scatter [tilespmem:s1], [sflag:$0x1], $0x80, v4, vm0, $0xb8;
	[tilespmem:$0x18080] =	vst v63  }
0x50: {  	s9 =	rddreg [dreg:$0xe]  }
0x51: {  	[hbm4b:s3+s2] =	stream.indirect_vreg.scatter [tilespmem:s9], [sflag:$0x1], $0x80, v3, vm0, $0xb8;
	[tilespmem:$0x18080] =	vst v63  }
0x52: {  	s1 =	rddreg [dreg:$0xf]  }
0x53: {  	[hbm4b:s4+s2] =	stream.indirect_vreg.scatter [tilespmem:s1], [sflag:$0x1], $0x80, v3, vm0, $0xb8;
	[tilespmem:$0x18080] =	vst v63  }
0x54: {  	s9 =	rddreg [dreg:$0x10]  }
0x55: {  	[hbm4b:s5+s2] =	stream.indirect_vreg.scatter [tilespmem:s9], [sflag:$0x1], $0x80, v3, vm0, $0xb8;
	[tilespmem:$0x18080] =	vst v63  }
0x56: {  	v3 =	vld [tilespmem:$0x20];
	_ =	sdelay $0x4  }
0x57: {  	v58 =	vshrl.u32 v3, $0x3  }
0x58: {  	v4 =	vmul.u32 $0x30, v58  }
0x59: {  	v3 =	vand.u32 $0x7, v3  }
0x5a: {  	v3 =	vor.u32 v3, v4  }
0x5b: {  	v4 =	vperm.xlane v3, v0;
	_ =	sdelay $0x1  }
0x5c: {  	v4 =	vadd.s32 v1, v4;
	_ =	sdelay $0x3  }
0x5d: {  	s1 =	rddreg [dreg:$0x11];
	v3 =	vperm.xlane v3, v2  }
0x5e: {  	[hbm4b:s3+s2] =	stream.indirect_vreg.scatter [tilespmem:s1], [sflag:$0x1], $0x80, v4, vm0, $0xb8;
	[tilespmem:$0x18080] =	vst v63  }
0x5f: {  	s9 =	rddreg [dreg:$0x12];
	v3 =	vadd.s32 v1, v3  }
0x60: {  	[hbm4b:s4+s2] =	stream.indirect_vreg.scatter [tilespmem:s9], [sflag:$0x1], $0x80, v4, vm0, $0xb8;
	[tilespmem:$0x18080] =	vst v63  }
0x61: {  	s1 =	rddreg [dreg:$0x13]  }
0x62: {  	[hbm4b:s5+s2] =	stream.indirect_vreg.scatter [tilespmem:s1], [sflag:$0x1], $0x80, v4, vm0, $0xb8;
	[tilespmem:$0x18080] =	vst v63  }
0x63: {  	s9 =	rddreg [dreg:$0x14]  }
0x64: {  	[hbm4b:s3+s2] =	stream.indirect_vreg.scatter [tilespmem:s9], [sflag:$0x1], $0x80, v3, vm0, $0xb8;
	[tilespmem:$0x18080] =	vst v63  }
0x65: {  	s1 =	rddreg [dreg:$0x15]  }
0x66: {  	[hbm4b:s4+s2] =	stream.indirect_vreg.scatter [tilespmem:s1], [sflag:$0x1], $0x80, v3, vm0, $0xb8;
	[tilespmem:$0x18080] =	vst v63  }
0x67: {  	s9 =	rddreg [dreg:$0x16]  }
0x68: {  	[hbm4b:s5+s2] =	stream.indirect_vreg.scatter [tilespmem:s9], [sflag:$0x1], $0x80, v3, vm0, $0xb8;
	[tilespmem:$0x18080] =	vst v63  }
0x69: {  	v3 =	vld [tilespmem:$0x30];
	_ =	sdelay $0x4  }
0x6a: {  	v59 =	vshrl.u32 v3, $0x3  }
0x6b: {  	v4 =	vmul.u32 $0x30, v59  }
0x6c: {  	v3 =	vand.u32 $0x7, v3  }
0x6d: {  	v3 =	vor.u32 v3, v4  }
0x6e: {  	v4 =	vperm.xlane v3, v0;
	_ =	sdelay $0x1  }
0x6f: {  	v4 =	vadd.s32 v1, v4;
	_ =	sdelay $0x3  }
0x70: {  	s1 =	rddreg [dreg:$0x17];
	v3 =	vperm.xlane v3, v2  }
0x71: {  	[hbm4b:s3+s2] =	stream.indirect_vreg.scatter [tilespmem:s1], [sflag:$0x1], $0x80, v4, vm0, $0xb8;
	[tilespmem:$0x18080] =	vst v63  }
0x72: {  	s9 =	rddreg [dreg:$0x18];
	v3 =	vadd.s32 v1, v3  }
0x73: {  	[hbm4b:s4+s2] =	stream.indirect_vreg.scatter [tilespmem:s9], [sflag:$0x1], $0x80, v4, vm0, $0xb8;
	[tilespmem:$0x18080] =	vst v63  }
0x74: {  	s1 =	rddreg [dreg:$0x19]  }
0x75: {  	[hbm4b:s5+s2] =	stream.indirect_vreg.scatter [tilespmem:s1], [sflag:$0x1], $0x80, v4, vm0, $0xb8;
	[tilespmem:$0x18080] =	vst v63  }
0x76: {  	s9 =	rddreg [dreg:$0x1a]  }
0x77: {  	[hbm4b:s3+s2] =	stream.indirect_vreg.scatter [tilespmem:s9], [sflag:$0x1], $0x80, v3, vm0, $0xb8;
	[tilespmem:$0x18080] =	vst v63  }
0x78: {  	s1 =	rddreg [dreg:$0x1b]  }
0x79: {  	[hbm4b:s4+s2] =	stream.indirect_vreg.scatter [tilespmem:s1], [sflag:$0x1], $0x80, v3, vm0, $0xb8;
	[tilespmem:$0x18080] =	vst v63  }
0x7a: {  	s9 =	rddreg [dreg:$0x1c]  }
0x7b: {  	[hbm4b:s5+s2] =	stream.indirect_vreg.scatter [tilespmem:s9], [sflag:$0x1], $0x80, v3, vm0, $0xb8;
	[tilespmem:$0x18080] =	vst v63  }
0x7c: {  	v3 =	vld [tilespmem:$0x40];
	_ =	sdelay $0x4  }
0x7d: {  	v60 =	vshrl.u32 v3, $0x3  }
0x7e: {  	v4 =	vmul.u32 $0x30, v60  }
0x7f: {  	v3 =	vand.u32 $0x7, v3  }
0x80: {  	v3 =	vor.u32 v3, v4  }
0x81: {  	v4 =	vperm.xlane v3, v0;
	_ =	sdelay $0x1  }
0x82: {  	v4 =	vadd.s32 v1, v4;
	_ =	sdelay $0x3  }
0x83: {  	s1 =	rddreg [dreg:$0x1d];
	v3 =	vperm.xlane v3, v2  }
0x84: {  	[hbm4b:s3+s2] =	stream.indirect_vreg.scatter [tilespmem:s1], [sflag:$0x1], $0x80, v4, vm0, $0xb8;
	[tilespmem:$0x18080] =	vst v63  }
0x85: {  	s9 =	rddreg [dreg:$0x1e];
	v3 =	vadd.s32 v1, v3  }
0x86: {  	[hbm4b:s4+s2] =	stream.indirect_vreg.scatter [tilespmem:s9], [sflag:$0x1], $0x80, v4, vm0, $0xb8;
	[tilespmem:$0x18080] =	vst v63  }
0x87: {  	s9 =	simm.s32 $0xD080  }
0x88: {  	[hbm4b:s5+s2] =	stream.indirect_vreg.scatter [tilespmem:s9], [sflag:$0x1], $0x80, v4, vm0, $0xb8;
	[tilespmem:$0x18080] =	vst v63  }
0x89: {  	_ = 	snop  }
0x8a: {  	[hbm4b:s3+s2] =	stream.indirect_vreg.scatter [tilespmem:s10], [sflag:$0x1], $0x80, v3, vm0, $0xb8;
	[tilespmem:$0x18080] =	vst v63  }
0x8b: {  	_ = 	snop  }
0x8c: {  	[hbm4b:s4+s2] =	stream.indirect_vreg.scatter [tilespmem:s11], [sflag:$0x1], $0x80, v3, vm0, $0xb8;
	[tilespmem:$0x18080] =	vst v63  }
0x8d: {  	_ = 	snop  }
0x8e: {  	[hbm4b:s5+s2] =	stream.indirect_vreg.scatter [tilespmem:s12], [sflag:$0x1], $0x80, v3, vm0, $0xb8;
	[tilespmem:$0x18080] =	vst v63  }
0x8f: {  	v3 =	vld [tilespmem:$0x50];
	_ =	sdelay $0x4  }
0x90: {  	v61 =	vshrl.u32 v3, $0x3  }
0x91: {  	v4 =	vmul.u32 $0x30, v61  }
0x92: {  	v3 =	vand.u32 $0x7, v3  }
0x93: {  	v3 =	vor.u32 v3, v4  }
0x94: {  	v4 =	vperm.xlane v3, v0;
	_ =	sdelay $0x1  }
0x95: {  	v4 =	vadd.s32 v1, v4;
	_ =	sdelay $0x3  }
0x96: {  	v3 =	vperm.xlane v3, v2  }
0x97: {  	[hbm4b:s3+s2] =	stream.indirect_vreg.scatter [tilespmem:s13], [sflag:$0x1], $0x80, v4, vm0, $0xb8;
	[tilespmem:$0x18080] =	vst v63  }
0x98: {  	v3 =	vadd.s32 v1, v3  }
0x99: {  	[hbm4b:s4+s2] =	stream.indirect_vreg.scatter [tilespmem:s14], [sflag:$0x1], $0x80, v4, vm0, $0xb8;
	[tilespmem:$0x18080] =	vst v63  }
0x9a: {  	_ = 	snop  }
0x9b: {  	[hbm4b:s5+s2] =	stream.indirect_vreg.scatter [tilespmem:s15], [sflag:$0x1], $0x80, v4, vm0, $0xb8;
	[tilespmem:$0x18080] =	vst v63  }
0x9c: {  	_ = 	snop  }
0x9d: {  	[hbm4b:s3+s2] =	stream.indirect_vreg.scatter [tilespmem:s16], [sflag:$0x1], $0x80, v3, vm0, $0xb8;
	[tilespmem:$0x18080] =	vst v63  }
0x9e: {  	_ = 	snop  }
0x9f: {  	[hbm4b:s4+s2] =	stream.indirect_vreg.scatter [tilespmem:s17], [sflag:$0x1], $0x80, v3, vm0, $0xb8;
	[tilespmem:$0x18080] =	vst v63  }
0xa0: {  	_ = 	snop  }
0xa1: {  	[hbm4b:s5+s2] =	stream.indirect_vreg.scatter [tilespmem:s18], [sflag:$0x1], $0x80, v3, vm0, $0xb8;
	[tilespmem:$0x18080] =	vst v63  }
0xa2: {  	v3 =	vld [tilespmem:$0x60];
	_ =	sdelay $0x4  }
0xa3: {  	v62 =	vshrl.u32 v3, $0x3  }
0xa4: {  	v4 =	vmul.u32 $0x30, v62  }
0xa5: {  	v3 =	vand.u32 $0x7, v3  }
0xa6: {  	v3 =	vor.u32 v3, v4  }
0xa7: {  	v4 =	vperm.xlane v3, v0;
	_ =	sdelay $0x1  }
0xa8: {  	v4 =	vadd.s32 v1, v4;
	_ =	sdelay $0x3  }
0xa9: {  	v3 =	vperm.xlane v3, v2  }
0xaa: {  	[hbm4b:s3+s2] =	stream.indirect_vreg.scatter [tilespmem:s19], [sflag:$0x1], $0x80, v4, vm0, $0xb8;
	[tilespmem:$0x18080] =	vst v63  }
0xab: {  	v3 =	vadd.s32 v1, v3  }
0xac: {  	[hbm4b:s4+s2] =	stream.indirect_vreg.scatter [tilespmem:s20], [sflag:$0x1], $0x80, v4, vm0, $0xb8;
	[tilespmem:$0x18080] =	vst v63  }
0xad: {  	_ = 	snop  }
0xae: {  	[hbm4b:s5+s2] =	stream.indirect_vreg.scatter [tilespmem:s21], [sflag:$0x1], $0x80, v4, vm0, $0xb8;
	[tilespmem:$0x18080] =	vst v63  }
0xaf: {  	_ = 	snop  }
0xb0: {  	[hbm4b:s3+s2] =	stream.indirect_vreg.scatter [tilespmem:s22], [sflag:$0x1], $0x80, v3, vm0, $0xb8;
	[tilespmem:$0x18080] =	vst v63  }
0xb1: {  	_ = 	snop  }
0xb2: {  	[hbm4b:s4+s2] =	stream.indirect_vreg.scatter [tilespmem:s23], [sflag:$0x1], $0x80, v3, vm0, $0xb8;
	[tilespmem:$0x18080] =	vst v63  }
0xb3: {  	_ = 	snop  }
0xb4: {  	[hbm4b:s5+s2] =	stream.indirect_vreg.scatter [tilespmem:s24], [sflag:$0x1], $0x80, v3, vm0, $0xb8;
	[tilespmem:$0x18080] =	vst v63  }
0xb5: {  	v3 =	vld [tilespmem:$0x70];
	_ =	sdelay $0x4  }
0xb6: {  	v63 =	vshrl.u32 v3, $0x3  }
0xb7: {  	v4 =	vmul.u32 $0x30, v63  }
0xb8: {  	v3 =	vand.u32 $0x7, v3  }
0xb9: {  	v3 =	vor.u32 v3, v4  }
0xba: {  	v4 =	vperm.xlane v3, v0;
	_ =	sdelay $0x1  }
0xbb: {  	v4 =	vadd.s32 v1, v4;
	_ =	sdelay $0x3  }
0xbc: {  	v3 =	vperm.xlane v3, v2  }
0xbd: {  	[hbm4b:s3+s2] =	stream.indirect_vreg.scatter [tilespmem:s25], [sflag:$0x1], $0x80, v4, vm0, $0xb8;
	[tilespmem:$0x18080] =	vst v63  }
0xbe: {  	v3 =	vadd.s32 v1, v3  }
0xbf: {  	[hbm4b:s4+s2] =	stream.indirect_vreg.scatter [tilespmem:s26], [sflag:$0x1], $0x80, v4, vm0, $0xb8;
	[tilespmem:$0x18080] =	vst v63  }
0xc0: {  	_ = 	snop  }
0xc1: {  	[hbm4b:s5+s2] =	stream.indirect_vreg.scatter [tilespmem:s28], [sflag:$0x1], $0x80, v4, vm0, $0xb8;
	[tilespmem:$0x18080] =	vst v63  }
0xc2: {  	_ = 	snop  }
0xc3: {  	[hbm4b:s3+s2] =	stream.indirect_vreg.scatter [tilespmem:s29], [sflag:$0x1], $0x80, v3, vm0, $0xb8;
	[tilespmem:$0x18080] =	vst v63  }
0xc4: {  	p0 =	sne.s32 s6, $0x1  }
0xc5: {  	[hbm4b:s4+s2] =	stream.indirect_vreg.scatter [tilespmem:s30], [sflag:$0x1], $0x80, v3, vm0, $0xb8;
	[tilespmem:$0x18080] =	vst v63  }
.Ltmp0:
0xc6: {  	_ = 	snop;
	(pc) =	sbr.rel @p0 .LBB2_1-.Ltmp0, $4  }
0xc7: {  	[hbm4b:s5+s2] =	stream.indirect_vreg.scatter [tilespmem:s31], [sflag:$0x1], $0x80, v3, vm0, $0xb8;
	[tilespmem:$0x18080] =	vst v63  }
0xc8: {  	_ =	swait.ge [sflag:s0], $0x18000  }
0xc9: {  	[sflag:s0] =	ssyncset.done $0x0  }
0xca: {  	s6 =	sadd.s32 $0xFFFFFFFF, s6;
	[sflag:s0] =	ssyncadd.s32 $0xFFFE8000  }
0xcb: {  	_ =	sfence.sel $0x180000  }
0xcc: {  	[bflag:$0x0] =	sbarrier.arrive $0xFFFF  }
0xcd: {  	_ =	strace $0x90000047  }
0xce: {  	s0 =	stileid.u32;
	[bflag:$0x2] =	sbarrier.arrive $0xFFFF  }
0xcf: {  	p0 =	sne.s32 s0, $0x0;
	s0 =	rddreg [dreg:$0x3]  }
0xd0: {  	s0 =	sadd.s32 @!p0 $0x100000, s0  }
0xd1: {  	[sflag:s0] =	ssyncadd.tile.s32 @!p0 $0x1;
	_ =	shalt  }
.Lfunc_end2:
_tile_overlayer_lowered:
.L_overlay_start_2:
0xd2: {  	(tag) =	ssettag $0x2  }
0xd3: {  	s0 =	rddreg [dreg:$0x0];
	s2 =	stileid.u32  }
0xd4: {  	s1 =	rddreg [dreg:$0x1];
	p0 =	sne.s32 s2, $0x0  }
0xd5: {  	s3 =	rddreg [dreg:$0x2];
	[bflag:$0x3] =	sbarrier.arrive $0xFFFF;
	s2 =	simm.s32 @!p0 $0x1C02  }
0xd6: {  	[timem:s3], [sflag:s2] =	dma.local @!p0 [hbm:s0], s1  }
0xd7: {  	s0 =	simm.s32 @!p0 $0x2  }
0xd8: {  	_ =	swait.ge @!p0 [sflag:s0], s1  }
0xd9: {  	s1 =	ssub.s32 @!p0 $0x0, s1;
	[sflag:s0] =	ssyncset.done @!p0 $0x0  }
0xda: {  	[sflag:s0] =	ssyncadd.s32 @!p0 s1  }
0xdb: {  	[bflag:$0x3] =	sbarrier.arrive $0xFFFF  }
0xdc: {  	_ =	shalt  }

</sc_bundles>
